<compile_context>
chip_gen: v7x
topology: tpu7x:2x2x1
jax: 0.10.2.dev20260603
libtpu: 0.0.44.dev20260713+nightly
codegen_flags: <defaults>
</compile_context>

<pallas_src>
import functools

import jax
import jax.numpy as jnp
from jax import lax
from jax.experimental import pallas as pl
from jax.experimental.pallas import tpu as pltpu
from jax.experimental.pallas import tpu_sc as plsc

K = 1024
F = 256
N = 8192
BN = 4096


def _assign_body(x_ref, ct_ref, near_ref, counts_ref):
    xb = x_ref[...]
    ct = ct_ref[...]
    prod = lax.dot_general(xb, ct, (((1,), (0,)), ((), ())),
                           preferred_element_type=jnp.float32)
    c2 = jnp.sum(ct * ct, axis=0, keepdims=True)
    dist = c2 - 2.0 * prod
    mind = jnp.min(dist, axis=1, keepdims=True)
    kio = lax.broadcasted_iota(jnp.int32, dist.shape, 1)
    near = jnp.min(jnp.where(dist == mind, kio, K), axis=1, keepdims=True)
    near_ref[...] = near

    @pl.when(pl.program_id(0) == 0)
    def _():
        counts_ref[...] = jnp.zeros_like(counts_ref)

    onehot = (near == kio).astype(jnp.float32)
    counts_ref[...] += jnp.sum(onehot, axis=0, keepdims=True)


_NH = 4
_NF = 8
_NW = _NH * _NF
_PPW = N // _NH
_FW = F // _NF
_FCH = _FW // 16


def _segsum_sc(x, near2, zeros):
    mesh = plsc.VectorSubcoreMesh(core_axis_name="c", subcore_axis_name="s")

    @functools.partial(
        pl.kernel,
        mesh=mesh,
        compiler_params=pltpu.CompilerParams(
            use_tc_tiling_on_sc=False, needs_layout_passes=False),
        out_type=jax.ShapeDtypeStruct((_NW, K, _FW), jnp.float32),
        scratch_types=[
            pltpu.VMEM((_PPW, _FW), jnp.float32),
            pltpu.VMEM((_PPW,), jnp.int32),
            pltpu.VMEM((K, _FW), jnp.float32),
        ],
    )
    def seg(x_hbm, near_hbm, zeros_hbm, out_hbm, xv, idxv, acc):
        cid = lax.axis_index("c")
        sid = lax.axis_index("s")
        wid = cid * 16 + sid
        h = wid // _NF
        f = wid % _NF
        pltpu.sync_copy(
            x_hbm.at[pl.ds(h * _PPW, _PPW), pl.ds(f * _FW, _FW)], xv)
        pltpu.sync_copy(near_hbm.at[h], idxv)
        pltpu.sync_copy(zeros_hbm, acc)

        def body(g):
            kvec = idxv[pl.ds(g * 16, 16)]
            for l in range(16):
                k = kvec[l]
                p = g * 16 + l
                for c in range(_FCH):
                    xr = xv[p, pl.ds(c * 16, 16)]
                    plsc.addupdate(acc.at[k, pl.ds(c * 16, 16)], xr)

        plsc.parallel_loop(0, _PPW // 16, unroll=2)(body)
        pltpu.sync_copy(acc, out_hbm.at[wid])

    return seg(x, near2, zeros)


def _finalize_body(sums_ref, counts_ref, c_ref, xk_ref, o0, o1, o2):
    counts = counts_ref[...]
    c = c_ref[...]
    c2 = jnp.sum(c * c, axis=1, keepdims=True)
    s_c2 = jnp.sum(c2)
    csum = jnp.sum(c, axis=0, keepdims=True)
    pair_sq = 2.0 * K * s_c2 - 2.0 * jnp.sum(csum * csum)
    xk = xk_ref[...]
    x2a = jnp.sum(xk * xk, axis=1, keepdims=True)
    xdc = jnp.sum(xk * csum, axis=1, keepdims=True)
    s_col = s_c2 + K * x2a - 2.0 * xdc
    nonempty = counts > 0.0
    safe = jnp.where(nonempty, counts, 1.0)
    dsq = jnp.zeros((K, 1), jnp.float32)
    for f in range(_NF):
        s_f = sums_ref[f]
        for h in range(1, _NH):
            s_f = s_f + sums_ref[h * _NF + f]
        d = s_f / safe - c_ref[:, f * _FW:(f + 1) * _FW]
        dsq = dsq + jnp.sum(d * d, axis=1, keepdims=True)
    deltas = jnp.where(nonempty, dsq, 0.0)
    o0[0, 0] = jnp.sum(deltas) / jnp.sum(nonempty.astype(jnp.float32))
    o1[0, 0] = jnp.sum(counts * s_col) / N
    o2[0, 0] = 1.0 / pair_sq


def kernel(x, centroids, m, v):
    near, counts = pl.pallas_call(
        _assign_body,
        grid=(N // BN,),
        in_specs=[pl.BlockSpec((BN, F), lambda i: (i, 0)),
                  pl.BlockSpec((F, K), lambda i: (0, 0))],
        out_specs=[pl.BlockSpec((BN, 1), lambda i: (i, 0)),
                   pl.BlockSpec((1, K), lambda i: (0, 0))],
        out_shape=[jax.ShapeDtypeStruct((N, 1), jnp.int32),
                   jax.ShapeDtypeStruct((1, K), jnp.float32)],
    )(x, centroids.T)

    near2 = near.reshape(_NH, _PPW)
    zeros = jnp.zeros((K, _FW), jnp.float32)
    sums = _segsum_sc(x, near2, zeros)

    o0, o1, o2 = pl.pallas_call(
        _finalize_body,
        out_specs=[pl.BlockSpec(memory_space=pltpu.SMEM)] * 3,
        out_shape=[jax.ShapeDtypeStruct((1, 1), jnp.float32)] * 3,
    )(sums, counts.reshape(K, 1), centroids, x[0:K])
    return (o0[0, 0], o1[0, 0], o2[0, 0])

# --- scband reference (transcript-rebuilt; emitter-appended) ---
"""Pipeline reference for scband-kmeans-89472758710293 (READ-ONLY COPY).

The authoritative reference and input builder live on the scoring server;
editing this copy changes nothing except your own understanding.
"""

import jax, jax.numpy as jnp
import numpy as np

NUM_CLUSTERS = 1024
NUM_FEATURES = 256
N_POINTS = 8192


def setup_inputs(seed: int = 0):
    key = jax.random.key(seed)
    k1, k2 = jax.random.split(key)
    x = jax.random.normal(k1, (N_POINTS, NUM_FEATURES), dtype=jnp.float32)
    centroids = jax.random.normal(k2, (NUM_CLUSTERS, NUM_FEATURES), dtype=jnp.float32)
    m = jnp.zeros((NUM_CLUSTERS,), dtype=jnp.float32)
    v = jnp.zeros((NUM_CLUSTERS,), dtype=jnp.float32)
    return {"x": x, "centroids": centroids, "m": m, "v": v}


def reference(x, centroids, m, v):
    betas = (0.9, 0.999, 1.0, 1.0)
    lr = 1e-4
    step = 1  # first call: self.step incremented from 0 to 1
    K = centroids.shape[0]
    N = x.shape[0]
    # dist[k, n] = ||x_n - c_k||^2, computed via algebraic expansion to avoid
    # materializing [K, N, F] (same math as torch broadcast-subtract-square-sum)
    x2 = jnp.sum(jnp.square(x), axis=1)                 # [N]
    c2 = jnp.sum(jnp.square(centroids), axis=1)         # [K]
    dist = c2[:, None] + x2[None, :] - 2.0 * (centroids @ x.T)  # [K, N]
    nearest = jnp.argmin(dist, axis=0)                  # [N] in [0, K)
    # faithful to original: dist[:, nearest] gathers COLUMNS at cluster-id indices
    point_loss = jnp.sum(dist[:, nearest]) / N
    # centroid_loss = 1 / sum_{i,j} ||c_i - c_j||^2, via identity
    pair_sq = 2.0 * K * jnp.sum(jnp.square(centroids)) - 2.0 * jnp.sum(jnp.square(jnp.sum(centroids, axis=0)))
    centroid_loss = 1.0 / pair_sq
    # vectorized (equivalent) form of the per-cluster loop: each iteration only
    # touches its own cluster K, so updates are independent
    counts = jnp.bincount(nearest, length=K)            # [K]
    sums = jax.ops.segment_sum(x, nearest, num_segments=K)  # [K, F]
    nonempty = counts > 0
    safe_counts = jnp.where(nonempty, counts, 1).astype(x.dtype)
    new_centers = sums / safe_counts[:, None]
    deltas = jnp.sum(jnp.square(new_centers - centroids), axis=1)  # [K]
    deltas = jnp.where(nonempty, deltas, 0.0)
    delta_k = jnp.sum(nonempty.astype(jnp.float32))
    sum_delta = jnp.sum(deltas)
    # Adam-like state update (stored, not returned; kept for faithfulness)
    g = deltas + betas[2] * point_loss + betas[3] * centroid_loss
    m_new = jnp.where(nonempty, betas[0] * m + (1.0 - betas[0]) * g, m)
    v_new = jnp.where(nonempty, betas[1] * v + (1.0 - betas[1]) * jnp.square(g), v)
    mh = m_new / (1.0 - betas[0] ** step)
    vh = v_new / (1.0 - betas[1] ** step)
    next_centers = centroids - lr * mh[:, None] / (jnp.sqrt(vh)[:, None] + 1e-8)
    _ = jnp.where(nonempty[:, None], next_centers, centroids)
    return (sum_delta / delta_k, point_loss, centroid_loss)

if __name__ == "__main__":
    import jax
    _d = setup_inputs()
    print(jax.jit(kernel)(*tuple(_d.values())))

</pallas_src>

<mosaic_0001>
#map = affine_map<(d0, d1) -> (0, 0)>
#map1 = affine_map<(d0, d1) -> (0, 0, 0)>
module attributes {stable_mosaic.version = 14 : i64} {
  func.func @seg(%arg0: i32, %arg1: i32, %arg2: memref<8192x256xf32, #tpu.memory_space<hbm>>, %arg3: memref<4x2048xi32, #tpu.memory_space<hbm>>, %arg4: memref<1024x32xf32, #tpu.memory_space<hbm>>, %arg5: memref<32x1024x32xf32, #tpu.memory_space<hbm>>, %arg6: memref<2048x32xf32, #tpu.memory_space<vmem>>, %arg7: memref<2048xi32, #tpu.memory_space<vmem>>, %arg8: memref<1024x32xf32, #tpu.memory_space<vmem>>) attributes {dimension_semantics = [#tpu.dimension_semantics<core_parallel>, #tpu.dimension_semantics<subcore_parallel>], iteration_bounds = array<i64: 2, 16>, scalar_prefetch = 0 : i64, scratch_operands = 3 : i64, tpu.core_type = #tpu.core_type<sc_vector_subcore>, window_params = [{transform_indices = #map}, {transform_indices = #map}, {transform_indices = #map}, {transform_indices = #map1}]} {
    %mul3A = arith.constant 16 : i32
    %mul3A_0 = arith.muli %arg0, %mul3A : i32
    %add3A = arith.addi %mul3A_0, %arg1 : i32
    %jit3A = arith.constant 8 : i32
    %div3A = arith.divsi %add3A, %jit3A : i32
    %sign3A = arith.constant 0 : i32
    %sign3A_1 = arith.cmpi sgt, %add3A, %sign3A : i32
    %sign3A_2 = arith.extui %sign3A_1 : i1 to i32
    %sign3A_3 = arith.constant 0 : i32
    %sign3A_4 = arith.cmpi slt, %add3A, %sign3A_3 : i32
    %sign3A_5 = arith.extui %sign3A_4 : i1 to i32
    %sign3A_6 = arith.subi %sign3A_2, %sign3A_5 : i32
    %sign3A_7 = arith.constant 0 : i32
    %sign3A_8 = arith.cmpi sgt, %jit3A, %sign3A_7 : i32
    %sign3A_9 = arith.extui %sign3A_8 : i1 to i32
    %sign3A_10 = arith.constant 0 : i32
    %sign3A_11 = arith.cmpi slt, %jit3A, %sign3A_10 : i32
    %sign3A_12 = arith.extui %sign3A_11 : i1 to i32
    %sign3A_13 = arith.subi %sign3A_9, %sign3A_12 : i32
    %ne3A = arith.cmpi ne, %sign3A_6, %sign3A_13 : i32
    %rem3A = arith.remsi %add3A, %jit3A : i32
    %ne3A_14 = arith.constant 0 : i32
    %ne3A_15 = arith.cmpi ne, %rem3A, %ne3A_14 : i32
    %and3A = arith.andi %ne3A, %ne3A_15 : i1
    %sub3A = arith.constant 1 : i32
    %sub3A_16 = arith.subi %div3A, %sub3A : i32
    %select_n3A = arith.select %and3A, %sub3A_16, %div3A : i32
    %jit3A_17 = arith.constant 8 : i32
    %eq3A = arith.constant 0 : i32
    %eq3A_18 = arith.cmpi eq, %jit3A_17, %eq3A : i32
    %jit3A_19 = arith.constant 1 : i32
    %select_n3A_20 = arith.select %eq3A_18, %jit3A_19, %jit3A_17 : i32
    %rem3A_21 = arith.remsi %add3A, %select_n3A_20 : i32
    %ne3A_22 = arith.constant 0 : i32
    %ne3A_23 = arith.cmpi ne, %rem3A_21, %ne3A_22 : i32
    %lt3A = arith.constant 0 : i32
    %lt3A_24 = arith.cmpi slt, %rem3A_21, %lt3A : i32
    %lt3A_25 = arith.constant 0 : i32
    %lt3A_26 = arith.cmpi slt, %select_n3A_20, %lt3A_25 : i32
    %ne3A_27 = arith.xori %lt3A_24, %lt3A_26 : i1
    %and3A_28 = arith.andi %ne3A_27, %ne3A_23 : i1
    %add3A_29 = arith.addi %rem3A_21, %select_n3A_20 : i32
    %select_n3A_30 = arith.select %and3A_28, %add3A_29, %rem3A_21 : i32
    %mul3A_31 = arith.constant 2048 : i32
    %mul3A_32 = arith.muli %select_n3A, %mul3A_31 : i32
    %mul3A_33 = arith.constant 32 : i32
    %mul3A_34 = arith.muli %select_n3A_30, %mul3A_33 : i32
    "tpu.region"() ({
      %run_scoped3A = tpu.sem_alloc : memref<!tpu.dma_semaphore, #tpu.memory_space<semaphore_mem>>
      %dma_start3A = tpu.memref_slice %arg2[%mul3A_32, %mul3A_34] : memref<8192x256xf32, #tpu.memory_space<hbm>> -> memref<2048x32xf32, #tpu.memory_space<hbm>>
      %dma_start3A_37 = tpu.memref_slice %arg2[%mul3A_32, %mul3A_34] : memref<8192x256xf32, #tpu.memory_space<hbm>> -> memref<2048x32xf32, #tpu.memory_space<hbm>>
      tpu.enqueue_dma source(%dma_start3A_37 : memref<2048x32xf32, #tpu.memory_space<hbm>>) target(%arg6 : memref<2048x32xf32, #tpu.memory_space<vmem>>) target_semaphore(%run_scoped3A : memref<!tpu.dma_semaphore, #tpu.memory_space<semaphore_mem>>)
      %dma_wait3A = tpu.memref_slice %arg2[%mul3A_32, %mul3A_34] : memref<8192x256xf32, #tpu.memory_space<hbm>> -> memref<2048x32xf32, #tpu.memory_space<hbm>>
      %dma_wait3A_38 = tpu.memref_slice %arg2[%mul3A_32, %mul3A_34] : memref<8192x256xf32, #tpu.memory_space<hbm>> -> memref<2048x32xf32, #tpu.memory_space<hbm>>
      tpu.wait_dma2 semaphore(%run_scoped3A : memref<!tpu.dma_semaphore, #tpu.memory_space<semaphore_mem>>) src(%dma_wait3A_38 : memref<2048x32xf32, #tpu.memory_space<hbm>>) dst(%arg6 : memref<2048x32xf32, #tpu.memory_space<vmem>>)
      tpu.yield
    }) : () -> ()
    "tpu.region"() ({
      %run_scoped3A = tpu.sem_alloc : memref<!tpu.dma_semaphore, #tpu.memory_space<semaphore_mem>>
      %dma_start3A = arith.constant 0 : i32
      %dma_start3A_37 = tpu.memref_slice %arg3[%select_n3A, %dma_start3A] : memref<4x2048xi32, #tpu.memory_space<hbm>> -> memref<1x2048xi32, #tpu.memory_space<hbm>>
      %dma_start3A_38 = tpu.memref_squeeze %dma_start3A_37 : memref<1x2048xi32, #tpu.memory_space<hbm>> -> memref<2048xi32, #tpu.memory_space<hbm>>
      %dma_start3A_39 = arith.constant 0 : i32
      %dma_start3A_40 = tpu.memref_slice %arg3[%select_n3A, %dma_start3A_39] : memref<4x2048xi32, #tpu.memory_space<hbm>> -> memref<1x2048xi32, #tpu.memory_space<hbm>>
      %dma_start3A_41 = tpu.memref_squeeze %dma_start3A_40 : memref<1x2048xi32, #tpu.memory_space<hbm>> -> memref<2048xi32, #tpu.memory_space<hbm>>
      tpu.enqueue_dma source(%dma_start3A_41 : memref<2048xi32, #tpu.memory_space<hbm>>) target(%arg7 : memref<2048xi32, #tpu.memory_space<vmem>>) target_semaphore(%run_scoped3A : memref<!tpu.dma_semaphore, #tpu.memory_space<semaphore_mem>>)
      %dma_wait3A = arith.constant 0 : i32
      %dma_wait3A_42 = tpu.memref_slice %arg3[%select_n3A, %dma_wait3A] : memref<4x2048xi32, #tpu.memory_space<hbm>> -> memref<1x2048xi32, #tpu.memory_space<hbm>>
      %dma_wait3A_43 = tpu.memref_squeeze %dma_wait3A_42 : memref<1x2048xi32, #tpu.memory_space<hbm>> -> memref<2048xi32, #tpu.memory_space<hbm>>
      %dma_wait3A_44 = arith.constant 0 : i32
      %dma_wait3A_45 = tpu.memref_slice %arg3[%select_n3A, %dma_wait3A_44] : memref<4x2048xi32, #tpu.memory_space<hbm>> -> memref<1x2048xi32, #tpu.memory_space<hbm>>
      %dma_wait3A_46 = tpu.memref_squeeze %dma_wait3A_45 : memref<1x2048xi32, #tpu.memory_space<hbm>> -> memref<2048xi32, #tpu.memory_space<hbm>>
      tpu.wait_dma2 semaphore(%run_scoped3A : memref<!tpu.dma_semaphore, #tpu.memory_space<semaphore_mem>>) src(%dma_wait3A_46 : memref<2048xi32, #tpu.memory_space<hbm>>) dst(%arg7 : memref<2048xi32, #tpu.memory_space<vmem>>)
      tpu.yield
    }) : () -> ()
    "tpu.region"() ({
      %run_scoped3A = tpu.sem_alloc : memref<!tpu.dma_semaphore, #tpu.memory_space<semaphore_mem>>
      tpu.enqueue_dma source(%arg4 : memref<1024x32xf32, #tpu.memory_space<hbm>>) target(%arg8 : memref<1024x32xf32, #tpu.memory_space<vmem>>) target_semaphore(%run_scoped3A : memref<!tpu.dma_semaphore, #tpu.memory_space<semaphore_mem>>)
      tpu.wait_dma2 semaphore(%run_scoped3A : memref<!tpu.dma_semaphore, #tpu.memory_space<semaphore_mem>>) src(%arg4 : memref<1024x32xf32, #tpu.memory_space<hbm>>) dst(%arg8 : memref<1024x32xf32, #tpu.memory_space<vmem>>)
      tpu.yield
    }) : () -> ()
    %parallel_loop3A = arith.constant 0 : i32
    %parallel_loop3A_35 = arith.constant 128 : i32
    %parallel_loop3A_36 = arith.constant 1 : i32
    scf.for %parallel_loop3A_37 = %parallel_loop3A to %parallel_loop3A_35 step %parallel_loop3A_36  : i32 {
      %parallel_loop3A_38 = arith.constant 16 : i32
      %parallel_loop3A_39 = arith.muli %parallel_loop3A_37, %parallel_loop3A_38 : i32
      %parallel_loop3A_40 = arith.index_cast %parallel_loop3A_39 : i32 to index
      %parallel_loop3A_41 = tpu.vector_load %arg7[%parallel_loop3A_40] {strides = array<i32>} : memref<2048xi32, #tpu.memory_space<vmem>>, vector<16xi32>,
      %parallel_loop3A_42 = vector.extract_strided_slice %parallel_loop3A_41 {offsets = [0], sizes = [1], strides = [1]} : vector<16xi32> to vector<1xi32>
      %parallel_loop3A_43 = vector.extract %parallel_loop3A_42[0] : i32 from vector<1xi32>
      %parallel_loop3A_44 = arith.constant 16 : i32
      %parallel_loop3A_45 = arith.muli %parallel_loop3A_37, %parallel_loop3A_44 : i32
      %parallel_loop3A_46 = arith.constant 0 : i32
      %parallel_loop3A_47 = arith.addi %parallel_loop3A_45, %parallel_loop3A_46 : i32
      %parallel_loop3A_48 = arith.index_cast %parallel_loop3A_47 : i32 to index
      %parallel_loop3A_49 = arith.constant 0 : index
      %parallel_loop3A_50 = tpu.vector_load %arg6[%parallel_loop3A_48, %parallel_loop3A_49] {strides = array<i32>} : memref<2048x32xf32, #tpu.memory_space<vmem>>, vector<16xf32>,
      %parallel_loop3A_51 = arith.index_cast %parallel_loop3A_43 : i32 to index
      %parallel_loop3A_52 = arith.constant 0 : index
      %parallel_loop3A_53 = tpu.vector_load %arg8[%parallel_loop3A_51, %parallel_loop3A_52] {strides = array<i32>} : memref<1024x32xf32, #tpu.memory_space<vmem>>, vector<16xf32>,
      tpu.vector_store %arg8[%parallel_loop3A_51, %parallel_loop3A_52], %parallel_loop3A_50 {add = true, strides = array<i32>} : memref<1024x32xf32, #tpu.memory_space<vmem>>, vector<16xf32>,
      %parallel_loop3A_54 = arith.index_cast %parallel_loop3A_47 : i32 to index
      %parallel_loop3A_55 = arith.constant 16 : index
      %parallel_loop3A_56 = tpu.vector_load %arg6[%parallel_loop3A_54, %parallel_loop3A_55] {strides = array<i32>} : memref<2048x32xf32, #tpu.memory_space<vmem>>, vector<16xf32>,
      %parallel_loop3A_57 = arith.index_cast %parallel_loop3A_43 : i32 to index
      %parallel_loop3A_58 = arith.constant 16 : index
      %parallel_loop3A_59 = tpu.vector_load %arg8[%parallel_loop3A_57, %parallel_loop3A_58] {strides = array<i32>} : memref<1024x32xf32, #tpu.memory_space<vmem>>, vector<16xf32>,
      tpu.vector_store %arg8[%parallel_loop3A_57, %parallel_loop3A_58], %parallel_loop3A_56 {add = true, strides = array<i32>} : memref<1024x32xf32, #tpu.memory_space<vmem>>, vector<16xf32>,
      %parallel_loop3A_60 = vector.extract_strided_slice %parallel_loop3A_41 {offsets = [1], sizes = [1], strides = [1]} : vector<16xi32> to vector<1xi32>
      %parallel_loop3A_61 = vector.extract %parallel_loop3A_60[0] : i32 from vector<1xi32>
      %parallel_loop3A_62 = arith.constant 16 : i32
      %parallel_loop3A_63 = arith.muli %parallel_loop3A_37, %parallel_loop3A_62 : i32
      %parallel_loop3A_64 = arith.constant 1 : i32
      %parallel_loop3A_65 = arith.addi %parallel_loop3A_63, %parallel_loop3A_64 : i32
      %parallel_loop3A_66 = arith.index_cast %parallel_loop3A_65 : i32 to index
      %parallel_loop3A_67 = arith.constant 0 : index
      %parallel_loop3A_68 = tpu.vector_load %arg6[%parallel_loop3A_66, %parallel_loop3A_67] {strides = array<i32>} : memref<2048x32xf32, #tpu.memory_space<vmem>>, vector<16xf32>,
      %parallel_loop3A_69 = arith.index_cast %parallel_loop3A_61 : i32 to index
      %parallel_loop3A_70 = arith.constant 0 : index
      %parallel_loop3A_71 = tpu.vector_load %arg8[%parallel_loop3A_69, %parallel_loop3A_70] {strides = array<i32>} : memref<1024x32xf32, #tpu.memory_space<vmem>>, vector<16xf32>,
      tpu.vector_store %arg8[%parallel_loop3A_69, %parallel_loop3A_70], %parallel_loop3A_68 {add = true, strides = array<i32>} : memref<1024x32xf32, #tpu.memory_space<vmem>>, vector<16xf32>,
      %parallel_loop3A_72 = arith.index_cast %parallel_loop3A_65 : i32 to index
      %parallel_loop3A_73 = arith.constant 16 : index
      %parallel_loop3A_74 = tpu.vector_load %arg6[%parallel_loop3A_72, %parallel_loop3A_73] {strides = array<i32>} : memref<2048x32xf32, #tpu.memory_space<vmem>>, vector<16xf32>,
      %parallel_loop3A_75 = arith.index_cast %parallel_loop3A_61 : i32 to index
      %parallel_loop3A_76 = arith.constant 16 : index
      %parallel_loop3A_77 = tpu.vector_load %arg8[%parallel_loop3A_75, %parallel_loop3A_76] {strides = array<i32>} : memref<1024x32xf32, #tpu.memory_space<vmem>>, vector<16xf32>,
      tpu.vector_store %arg8[%parallel_loop3A_75, %parallel_loop3A_76], %parallel_loop3A_74 {add = true, strides = array<i32>} : memref<1024x32xf32, #tpu.memory_space<vmem>>, vector<16xf32>,
      %parallel_loop3A_78 = vector.extract_strided_slice %parallel_loop3A_41 {offsets = [2], sizes = [1], strides = [1]} : vector<16xi32> to vector<1xi32>
      %parallel_loop3A_79 = vector.extract %parallel_loop3A_78[0] : i32 from vector<1xi32>
      %parallel_loop3A_80 = arith.constant 16 : i32
      %parallel_loop3A_81 = arith.muli %parallel_loop3A_37, %parallel_loop3A_80 : i32
      %parallel_loop3A_82 = arith.constant 2 : i32
      %parallel_loop3A_83 = arith.addi %parallel_loop3A_81, %parallel_loop3A_82 : i32
      %parallel_loop3A_84 = arith.index_cast %parallel_loop3A_83 : i32 to index
      %parallel_loop3A_85 = arith.constant 0 : index
      %parallel_loop3A_86 = tpu.vector_load %arg6[%parallel_loop3A_84, %parallel_loop3A_85] {strides = array<i32>} : memref<2048x32xf32, #tpu.memory_space<vmem>>, vector<16xf32>,
      %parallel_loop3A_87 = arith.index_cast %parallel_loop3A_79 : i32 to index
      %parallel_loop3A_88 = arith.constant 0 : index
      %parallel_loop3A_89 = tpu.vector_load %arg8[%parallel_loop3A_87, %parallel_loop3A_88] {strides = array<i32>} : memref<1024x32xf32, #tpu.memory_space<vmem>>, vector<16xf32>,
      tpu.vector_store %arg8[%parallel_loop3A_87, %parallel_loop3A_88], %parallel_loop3A_86 {add = true, strides = array<i32>} : memref<1024x32xf32, #tpu.memory_space<vmem>>, vector<16xf32>,
      %parallel_loop3A_90 = arith.index_cast %parallel_loop3A_83 : i32 to index
      %parallel_loop3A_91 = arith.constant 16 : index
      %parallel_loop3A_92 = tpu.vector_load %arg6[%parallel_loop3A_90, %parallel_loop3A_91] {strides = array<i32>} : memref<2048x32xf32, #tpu.memory_space<vmem>>, vector<16xf32>,
      %parallel_loop3A_93 = arith.index_cast %parallel_loop3A_79 : i32 to index
      %parallel_loop3A_94 = arith.constant 16 : index
      %parallel_loop3A_95 = tpu.vector_load %arg8[%parallel_loop3A_93, %parallel_loop3A_94] {strides = array<i32>} : memref<1024x32xf32, #tpu.memory_space<vmem>>, vector<16xf32>,
      tpu.vector_store %arg8[%parallel_loop3A_93, %parallel_loop3A_94], %parallel_loop3A_92 {add = true, strides = array<i32>} : memref<1024x32xf32, #tpu.memory_space<vmem>>, vector<16xf32>,
      %parallel_loop3A_96 = vector.extract_strided_slice %parallel_loop3A_41 {offsets = [3], sizes = [1], strides = [1]} : vector<16xi32> to vector<1xi32>
      %parallel_loop3A_97 = vector.extract %parallel_loop3A_96[0] : i32 from vector<1xi32>
      %parallel_loop3A_98 = arith.constant 16 : i32
      %parallel_loop3A_99 = arith.muli %parallel_loop3A_37, %parallel_loop3A_98 : i32
      %parallel_loop3A_100 = arith.constant 3 : i32
      %parallel_loop3A_101 = arith.addi %parallel_loop3A_99, %parallel_loop3A_100 : i32
      %parallel_loop3A_102 = arith.index_cast %parallel_loop3A_101 : i32 to index
      %parallel_loop3A_103 = arith.constant 0 : index
      %parallel_loop3A_104 = tpu.vector_load %arg6[%parallel_loop3A_102, %parallel_loop3A_103] {strides = array<i32>} : memref<2048x32xf32, #tpu.memory_space<vmem>>, vector<16xf32>,
      %parallel_loop3A_105 = arith.index_cast %parallel_loop3A_97 : i32 to index
      %parallel_loop3A_106 = arith.constant 0 : index
      %parallel_loop3A_107 = tpu.vector_load %arg8[%parallel_loop3A_105, %parallel_loop3A_106] {strides = array<i32>} : memref<1024x32xf32, #tpu.memory_space<vmem>>, vector<16xf32>,
      tpu.vector_store %arg8[%parallel_loop3A_105, %parallel_loop3A_106], %parallel_loop3A_104 {add = true, strides = array<i32>} : memref<1024x32xf32, #tpu.memory_space<vmem>>, vector<16xf32>,
      %parallel_loop3A_108 = arith.index_cast %parallel_loop3A_101 : i32 to index
      %parallel_loop3A_109 = arith.constant 16 : index
      %parallel_loop3A_110 = tpu.vector_load %arg6[%parallel_loop3A_108, %parallel_loop3A_109] {strides = array<i32>} : memref<2048x32xf32, #tpu.memory_space<vmem>>, vector<16xf32>,
      %parallel_loop3A_111 = arith.index_cast %parallel_loop3A_97 : i32 to index
      %parallel_loop3A_112 = arith.constant 16 : index
      %parallel_loop3A_113 = tpu.vector_load %arg8[%parallel_loop3A_111, %parallel_loop3A_112] {strides = array<i32>} : memref<1024x32xf32, #tpu.memory_space<vmem>>, vector<16xf32>,
      tpu.vector_store %arg8[%parallel_loop3A_111, %parallel_loop3A_112], %parallel_loop3A_110 {add = true, strides = array<i32>} : memref<1024x32xf32, #tpu.memory_space<vmem>>, vector<16xf32>,
      %parallel_loop3A_114 = vector.extract_strided_slice %parallel_loop3A_41 {offsets = [4], sizes = [1], strides = [1]} : vector<16xi32> to vector<1xi32>
      %parallel_loop3A_115 = vector.extract %parallel_loop3A_114[0] : i32 from vector<1xi32>
      %parallel_loop3A_116 = arith.constant 16 : i32
      %parallel_loop3A_117 = arith.muli %parallel_loop3A_37, %parallel_loop3A_116 : i32
      %parallel_loop3A_118 = arith.constant 4 : i32
      %parallel_loop3A_119 = arith.addi %parallel_loop3A_117, %parallel_loop3A_118 : i32
      %parallel_loop3A_120 = arith.index_cast %parallel_loop3A_119 : i32 to index
      %parallel_loop3A_121 = arith.constant 0 : index
      %parallel_loop3A_122 = tpu.vector_load %arg6[%parallel_loop3A_120, %parallel_loop3A_121] {strides = array<i32>} : memref<2048x32xf32, #tpu.memory_space<vmem>>, vector<16xf32>,
      %parallel_loop3A_123 = arith.index_cast %parallel_loop3A_115 : i32 to index
      %parallel_loop3A_124 = arith.constant 0 : index
      %parallel_loop3A_125 = tpu.vector_load %arg8[%parallel_loop3A_123, %parallel_loop3A_124] {strides = array<i32>} : memref<1024x32xf32, #tpu.memory_space<vmem>>, vector<16xf32>,
      tpu.vector_store %arg8[%parallel_loop3A_123, %parallel_loop3A_124], %parallel_loop3A_122 {add = true, strides = array<i32>} : memref<1024x32xf32, #tpu.memory_space<vmem>>, vector<16xf32>,
      %parallel_loop3A_126 = arith.index_cast %parallel_loop3A_119 : i32 to index
      %parallel_loop3A_127 = arith.constant 16 : index
      %parallel_loop3A_128 = tpu.vector_load %arg6[%parallel_loop3A_126, %parallel_loop3A_127] {strides = array<i32>} : memref<2048x32xf32, #tpu.memory_space<vmem>>, vector<16xf32>,
      %parallel_loop3A_129 = arith.index_cast %parallel_loop3A_115 : i32 to index
      %parallel_loop3A_130 = arith.constant 16 : index
      %parallel_loop3A_131 = tpu.vector_load %arg8[%parallel_loop3A_129, %parallel_loop3A_130] {strides = array<i32>} : memref<1024x32xf32, #tpu.memory_space<vmem>>, vector<16xf32>,
      tpu.vector_store %arg8[%parallel_loop3A_129, %parallel_loop3A_130], %parallel_loop3A_128 {add = true, strides = array<i32>} : memref<1024x32xf32, #tpu.memory_space<vmem>>, vector<16xf32>,
      %parallel_loop3A_132 = vector.extract_strided_slice %parallel_loop3A_41 {offsets = [5], sizes = [1], strides = [1]} : vector<16xi32> to vector<1xi32>
      %parallel_loop3A_133 = vector.extract %parallel_loop3A_132[0] : i32 from vector<1xi32>
      %parallel_loop3A_134 = arith.constant 16 : i32
      %parallel_loop3A_135 = arith.muli %parallel_loop3A_37, %parallel_loop3A_134 : i32
      %parallel_loop3A_136 = arith.constant 5 : i32
      %parallel_loop3A_137 = arith.addi %parallel_loop3A_135, %parallel_loop3A_136 : i32
      %parallel_loop3A_138 = arith.index_cast %parallel_loop3A_137 : i32 to index
      %parallel_loop3A_139 = arith.constant 0 : index
      %parallel_loop3A_140 = tpu.vector_load %arg6[%parallel_loop3A_138, %parallel_loop3A_139] {strides = array<i32>} : memref<2048x32xf32, #tpu.memory_space<vmem>>, vector<16xf32>,
      %parallel_loop3A_141 = arith.index_cast %parallel_loop3A_133 : i32 to index
      %parallel_loop3A_142 = arith.constant 0 : index
      %parallel_loop3A_143 = tpu.vector_load %arg8[%parallel_loop3A_141, %parallel_loop3A_142] {strides = array<i32>} : memref<1024x32xf32, #tpu.memory_space<vmem>>, vector<16xf32>,
      tpu.vector_store %arg8[%parallel_loop3A_141, %parallel_loop3A_142], %parallel_loop3A_140 {add = true, strides = array<i32>} : memref<1024x32xf32, #tpu.memory_space<vmem>>, vector<16xf32>,
      %parallel_loop3A_144 = arith.index_cast %parallel_loop3A_137 : i32 to index
      %parallel_loop3A_145 = arith.constant 16 : index
      %parallel_loop3A_146 = tpu.vector_load %arg6[%parallel_loop3A_144, %parallel_loop3A_145] {strides = array<i32>} : memref<2048x32xf32, #tpu.memory_space<vmem>>, vector<16xf32>,
      %parallel_loop3A_147 = arith.index_cast %parallel_loop3A_133 : i32 to index
      %parallel_loop3A_148 = arith.constant 16 : index
      %parallel_loop3A_149 = tpu.vector_load %arg8[%parallel_loop3A_147, %parallel_loop3A_148] {strides = array<i32>} : memref<1024x32xf32, #tpu.memory_space<vmem>>, vector<16xf32>,
      tpu.vector_store %arg8[%parallel_loop3A_147, %parallel_loop3A_148], %parallel_loop3A_146 {add = true, strides = array<i32>} : memref<1024x32xf32, #tpu.memory_space<vmem>>, vector<16xf32>,
      %parallel_loop3A_150 = vector.extract_strided_slice %parallel_loop3A_41 {offsets = [6], sizes = [1], strides = [1]} : vector<16xi32> to vector<1xi32>
      %parallel_loop3A_151 = vector.extract %parallel_loop3A_150[0] : i32 from vector<1xi32>
      %parallel_loop3A_152 = arith.constant 16 : i32
      %parallel_loop3A_153 = arith.muli %parallel_loop3A_37, %parallel_loop3A_152 : i32
      %parallel_loop3A_154 = arith.constant 6 : i32
      %parallel_loop3A_155 = arith.addi %parallel_loop3A_153, %parallel_loop3A_154 : i32
      %parallel_loop3A_156 = arith.index_cast %parallel_loop3A_155 : i32 to index
      %parallel_loop3A_157 = arith.constant 0 : index
      %parallel_loop3A_158 = tpu.vector_load %arg6[%parallel_loop3A_156, %parallel_loop3A_157] {strides = array<i32>} : memref<2048x32xf32, #tpu.memory_space<vmem>>, vector<16xf32>,
      %parallel_loop3A_159 = arith.index_cast %parallel_loop3A_151 : i32 to index
      %parallel_loop3A_160 = arith.constant 0 : index
      %parallel_loop3A_161 = tpu.vector_load %arg8[%parallel_loop3A_159, %parallel_loop3A_160] {strides = array<i32>} : memref<1024x32xf32, #tpu.memory_space<vmem>>, vector<16xf32>,
      tpu.vector_store %arg8[%parallel_loop3A_159, %parallel_loop3A_160], %parallel_loop3A_158 {add = true, strides = array<i32>} : memref<1024x32xf32, #tpu.memory_space<vmem>>, vector<16xf32>,
      %parallel_loop3A_162 = arith.index_cast %parallel_loop3A_155 : i32 to index
      %parallel_loop3A_163 = arith.constant 16 : index
      %parallel_loop3A_164 = tpu.vector_load %arg6[%parallel_loop3A_162, %parallel_loop3A_163] {strides = array<i32>} : memref<2048x32xf32, #tpu.memory_space<vmem>>, vector<16xf32>,
      %parallel_loop3A_165 = arith.index_cast %parallel_loop3A_151 : i32 to index
      %parallel_loop3A_166 = arith.constant 16 : index
      %parallel_loop3A_167 = tpu.vector_load %arg8[%parallel_loop3A_165, %parallel_loop3A_166] {strides = array<i32>} : memref<1024x32xf32, #tpu.memory_space<vmem>>, vector<16xf32>,
      tpu.vector_store %arg8[%parallel_loop3A_165, %parallel_loop3A_166], %parallel_loop3A_164 {add = true, strides = array<i32>} : memref<1024x32xf32, #tpu.memory_space<vmem>>, vector<16xf32>,
      %parallel_loop3A_168 = vector.extract_strided_slice %parallel_loop3A_41 {offsets = [7], sizes = [1], strides = [1]} : vector<16xi32> to vector<1xi32>
      %parallel_loop3A_169 = vector.extract %parallel_loop3A_168[0] : i32 from vector<1xi32>
      %parallel_loop3A_170 = arith.constant 16 : i32
      %parallel_loop3A_171 = arith.muli %parallel_loop3A_37, %parallel_loop3A_170 : i32
      %parallel_loop3A_172 = arith.constant 7 : i32
      %parallel_loop3A_173 = arith.addi %parallel_loop3A_171, %parallel_loop3A_172 : i32
      %parallel_loop3A_174 = arith.index_cast %parallel_loop3A_173 : i32 to index
      %parallel_loop3A_175 = arith.constant 0 : index
      %parallel_loop3A_176 = tpu.vector_load %arg6[%parallel_loop3A_174, %parallel_loop3A_175] {strides = array<i32>} : memref<2048x32xf32, #tpu.memory_space<vmem>>, vector<16xf32>,
      %parallel_loop3A_177 = arith.index_cast %parallel_loop3A_169 : i32 to index
      %parallel_loop3A_178 = arith.constant 0 : index
      %parallel_loop3A_179 = tpu.vector_load %arg8[%parallel_loop3A_177, %parallel_loop3A_178] {strides = array<i32>} : memref<1024x32xf32, #tpu.memory_space<vmem>>, vector<16xf32>,
      tpu.vector_store %arg8[%parallel_loop3A_177, %parallel_loop3A_178], %parallel_loop3A_176 {add = true, strides = array<i32>} : memref<1024x32xf32, #tpu.memory_space<vmem>>, vector<16xf32>,
      %parallel_loop3A_180 = arith.index_cast %parallel_loop3A_173 : i32 to index
      %parallel_loop3A_181 = arith.constant 16 : index
      %parallel_loop3A_182 = tpu.vector_load %arg6[%parallel_loop3A_180, %parallel_loop3A_181] {strides = array<i32>} : memref<2048x32xf32, #tpu.memory_space<vmem>>, vector<16xf32>,
      %parallel_loop3A_183 = arith.index_cast %parallel_loop3A_169 : i32 to index
      %parallel_loop3A_184 = arith.constant 16 : index
      %parallel_loop3A_185 = tpu.vector_load %arg8[%parallel_loop3A_183, %parallel_loop3A_184] {strides = array<i32>} : memref<1024x32xf32, #tpu.memory_space<vmem>>, vector<16xf32>,
      tpu.vector_store %arg8[%parallel_loop3A_183, %parallel_loop3A_184], %parallel_loop3A_182 {add = true, strides = array<i32>} : memref<1024x32xf32, #tpu.memory_space<vmem>>, vector<16xf32>,
      %parallel_loop3A_186 = vector.extract_strided_slice %parallel_loop3A_41 {offsets = [8], sizes = [1], strides = [1]} : vector<16xi32> to vector<1xi32>
      %parallel_loop3A_187 = vector.extract %parallel_loop3A_186[0] : i32 from vector<1xi32>
      %parallel_loop3A_188 = arith.constant 16 : i32
      %parallel_loop3A_189 = arith.muli %parallel_loop3A_37, %parallel_loop3A_188 : i32
      %parallel_loop3A_190 = arith.constant 8 : i32
      %parallel_loop3A_191 = arith.addi %parallel_loop3A_189, %parallel_loop3A_190 : i32
      %parallel_loop3A_192 = arith.index_cast %parallel_loop3A_191 : i32 to index
      %parallel_loop3A_193 = arith.constant 0 : index
      %parallel_loop3A_194 = tpu.vector_load %arg6[%parallel_loop3A_192, %parallel_loop3A_193] {strides = array<i32>} : memref<2048x32xf32, #tpu.memory_space<vmem>>, vector<16xf32>,
      %parallel_loop3A_195 = arith.index_cast %parallel_loop3A_187 : i32 to index
      %parallel_loop3A_196 = arith.constant 0 : index
      %parallel_loop3A_197 = tpu.vector_load %arg8[%parallel_loop3A_195, %parallel_loop3A_196] {strides = array<i32>} : memref<1024x32xf32, #tpu.memory_space<vmem>>, vector<16xf32>,
      tpu.vector_store %arg8[%parallel_loop3A_195, %parallel_loop3A_196], %parallel_loop3A_194 {add = true, strides = array<i32>} : memref<1024x32xf32, #tpu.memory_space<vmem>>, vector<16xf32>,
      %parallel_loop3A_198 = arith.index_cast %parallel_loop3A_191 : i32 to index
      %parallel_loop3A_199 = arith.constant 16 : index
      %parallel_loop3A_200 = tpu.vector_load %arg6[%parallel_loop3A_198, %parallel_loop3A_199] {strides = array<i32>} : memref<2048x32xf32, #tpu.memory_space<vmem>>, vector<16xf32>,
      %parallel_loop3A_201 = arith.index_cast %parallel_loop3A_187 : i32 to index
      %parallel_loop3A_202 = arith.constant 16 : index
      %parallel_loop3A_203 = tpu.vector_load %arg8[%parallel_loop3A_201, %parallel_loop3A_202] {strides = array<i32>} : memref<1024x32xf32, #tpu.memory_space<vmem>>, vector<16xf32>,
      tpu.vector_store %arg8[%parallel_loop3A_201, %parallel_loop3A_202], %parallel_loop3A_200 {add = true, strides = array<i32>} : memref<1024x32xf32, #tpu.memory_space<vmem>>, vector<16xf32>,
      %parallel_loop3A_204 = vector.extract_strided_slice %parallel_loop3A_41 {offsets = [9], sizes = [1], strides = [1]} : vector<16xi32> to vector<1xi32>
      %parallel_loop3A_205 = vector.extract %parallel_loop3A_204[0] : i32 from vector<1xi32>
      %parallel_loop3A_206 = arith.constant 16 : i32
      %parallel_loop3A_207 = arith.muli %parallel_loop3A_37, %parallel_loop3A_206 : i32
      %parallel_loop3A_208 = arith.constant 9 : i32
      %parallel_loop3A_209 = arith.addi %parallel_loop3A_207, %parallel_loop3A_208 : i32
      %parallel_loop3A_210 = arith.index_cast %parallel_loop3A_209 : i32 to index
      %parallel_loop3A_211 = arith.constant 0 : index
      %parallel_loop3A_212 = tpu.vector_load %arg6[%parallel_loop3A_210, %parallel_loop3A_211] {strides = array<i32>} : memref<2048x32xf32, #tpu.memory_space<vmem>>, vector<16xf32>,
      %parallel_loop3A_213 = arith.index_cast %parallel_loop3A_205 : i32 to index
      %parallel_loop3A_214 = arith.constant 0 : index
      %parallel_loop3A_215 = tpu.vector_load %arg8[%parallel_loop3A_213, %parallel_loop3A_214] {strides = array<i32>} : memref<1024x32xf32, #tpu.memory_space<vmem>>, vector<16xf32>,
      tpu.vector_store %arg8[%parallel_loop3A_213, %parallel_loop3A_214], %parallel_loop3A_212 {add = true, strides = array<i32>} : memref<1024x32xf32, #tpu.memory_space<vmem>>, vector<16xf32>,
      %parallel_loop3A_216 = arith.index_cast %parallel_loop3A_209 : i32 to index
      %parallel_loop3A_217 = arith.constant 16 : index
      %parallel_loop3A_218 = tpu.vector_load %arg6[%parallel_loop3A_216, %parallel_loop3A_217] {strides = array<i32>} : memref<2048x32xf32, #tpu.memory_space<vmem>>, vector<16xf32>,
      %parallel_loop3A_219 = arith.index_cast %parallel_loop3A_205 : i32 to index
      %parallel_loop3A_220 = arith.constant 16 : index
      %parallel_loop3A_221 = tpu.vector_load %arg8[%parallel_loop3A_219, %parallel_loop3A_220] {strides = array<i32>} : memref<1024x32xf32, #tpu.memory_space<vmem>>, vector<16xf32>,
      tpu.vector_store %arg8[%parallel_loop3A_219, %parallel_loop3A_220], %parallel_loop3A_218 {add = true, strides = array<i32>} : memref<1024x32xf32, #tpu.memory_space<vmem>>, vector<16xf32>,
      %parallel_loop3A_222 = vector.extract_strided_slice %parallel_loop3A_41 {offsets = [10], sizes = [1], strides = [1]} : vector<16xi32> to vector<1xi32>
      %parallel_loop3A_223 = vector.extract %parallel_loop3A_222[0] : i32 from vector<1xi32>
      %parallel_loop3A_224 = arith.constant 16 : i32
      %parallel_loop3A_225 = arith.muli %parallel_loop3A_37, %parallel_loop3A_224 : i32
      %parallel_loop3A_226 = arith.constant 10 : i32
      %parallel_loop3A_227 = arith.addi %parallel_loop3A_225, %parallel_loop3A_226 : i32
      %parallel_loop3A_228 = arith.index_cast %parallel_loop3A_227 : i32 to index
      %parallel_loop3A_229 = arith.constant 0 : index
      %parallel_loop3A_230 = tpu.vector_load %arg6[%parallel_loop3A_228, %parallel_loop3A_229] {strides = array<i32>} : memref<2048x32xf32, #tpu.memory_space<vmem>>, vector<16xf32>,
      %parallel_loop3A_231 = arith.index_cast %parallel_loop3A_223 : i32 to index
      %parallel_loop3A_232 = arith.constant 0 : index
      %parallel_loop3A_233 = tpu.vector_load %arg8[%parallel_loop3A_231, %parallel_loop3A_232] {strides = array<i32>} : memref<1024x32xf32, #tpu.memory_space<vmem>>, vector<16xf32>,
      tpu.vector_store %arg8[%parallel_loop3A_231, %parallel_loop3A_232], %parallel_loop3A_230 {add = true, strides = array<i32>} : memref<1024x32xf32, #tpu.memory_space<vmem>>, vector<16xf32>,
      %parallel_loop3A_234 = arith.index_cast %parallel_loop3A_227 : i32 to index
      %parallel_loop3A_235 = arith.constant 16 : index
      %parallel_loop3A_236 = tpu.vector_load %arg6[%parallel_loop3A_234, %parallel_loop3A_235] {strides = array<i32>} : memref<2048x32xf32, #tpu.memory_space<vmem>>, vector<16xf32>,
      %parallel_loop3A_237 = arith.index_cast %parallel_loop3A_223 : i32 to index
      %parallel_loop3A_238 = arith.constant 16 : index
      %parallel_loop3A_239 = tpu.vector_load %arg8[%parallel_loop3A_237, %parallel_loop3A_238] {strides = array<i32>} : memref<1024x32xf32, #tpu.memory_space<vmem>>, vector<16xf32>,
      tpu.vector_store %arg8[%parallel_loop3A_237, %parallel_loop3A_238], %parallel_loop3A_236 {add = true, strides = array<i32>} : memref<1024x32xf32, #tpu.memory_space<vmem>>, vector<16xf32>,
      %parallel_loop3A_240 = vector.extract_strided_slice %parallel_loop3A_41 {offsets = [11], sizes = [1], strides = [1]} : vector<16xi32> to vector<1xi32>
      %parallel_loop3A_241 = vector.extract %parallel_loop3A_240[0] : i32 from vector<1xi32>
      %parallel_loop3A_242 = arith.constant 16 : i32
      %parallel_loop3A_243 = arith.muli %parallel_loop3A_37, %parallel_loop3A_242 : i32
      %parallel_loop3A_244 = arith.constant 11 : i32
      %parallel_loop3A_245 = arith.addi %parallel_loop3A_243, %parallel_loop3A_244 : i32
      %parallel_loop3A_246 = arith.index_cast %parallel_loop3A_245 : i32 to index
      %parallel_loop3A_247 = arith.constant 0 : index
      %parallel_loop3A_248 = tpu.vector_load %arg6[%parallel_loop3A_246, %parallel_loop3A_247] {strides = array<i32>} : memref<2048x32xf32, #tpu.memory_space<vmem>>, vector<16xf32>,
      %parallel_loop3A_249 = arith.index_cast %parallel_loop3A_241 : i32 to index
      %parallel_loop3A_250 = arith.constant 0 : index
      %parallel_loop3A_251 = tpu.vector_load %arg8[%parallel_loop3A_249, %parallel_loop3A_250] {strides = array<i32>} : memref<1024x32xf32, #tpu.memory_space<vmem>>, vector<16xf32>,
      tpu.vector_store %arg8[%parallel_loop3A_249, %parallel_loop3A_250], %parallel_loop3A_248 {add = true, strides = array<i32>} : memref<1024x32xf32, #tpu.memory_space<vmem>>, vector<16xf32>,
      %parallel_loop3A_252 = arith.index_cast %parallel_loop3A_245 : i32 to index
      %parallel_loop3A_253 = arith.constant 16 : index
      %parallel_loop3A_254 = tpu.vector_load %arg6[%parallel_loop3A_252, %parallel_loop3A_253] {strides = array<i32>} : memref<2048x32xf32, #tpu.memory_space<vmem>>, vector<16xf32>,
      %parallel_loop3A_255 = arith.index_cast %parallel_loop3A_241 : i32 to index
      %parallel_loop3A_256 = arith.constant 16 : index
      %parallel_loop3A_257 = tpu.vector_load %arg8[%parallel_loop3A_255, %parallel_loop3A_256] {strides = array<i32>} : memref<1024x32xf32, #tpu.memory_space<vmem>>, vector<16xf32>,
      tpu.vector_store %arg8[%parallel_loop3A_255, %parallel_loop3A_256], %parallel_loop3A_254 {add = true, strides = array<i32>} : memref<1024x32xf32, #tpu.memory_space<vmem>>, vector<16xf32>,
      %parallel_loop3A_258 = vector.extract_strided_slice %parallel_loop3A_41 {offsets = [12], sizes = [1], strides = [1]} : vector<16xi32> to vector<1xi32>
      %parallel_loop3A_259 = vector.extract %parallel_loop3A_258[0] : i32 from vector<1xi32>
      %parallel_loop3A_260 = arith.constant 16 : i32
      %parallel_loop3A_261 = arith.muli %parallel_loop3A_37, %parallel_loop3A_260 : i32
      %parallel_loop3A_262 = arith.constant 12 : i32
      %parallel_loop3A_263 = arith.addi %parallel_loop3A_261, %parallel_loop3A_262 : i32
      %parallel_loop3A_264 = arith.index_cast %parallel_loop3A_263 : i32 to index
      %parallel_loop3A_265 = arith.constant 0 : index
      %parallel_loop3A_266 = tpu.vector_load %arg6[%parallel_loop3A_264, %parallel_loop3A_265] {strides = array<i32>} : memref<2048x32xf32, #tpu.memory_space<vmem>>, vector<16xf32>,
      %parallel_loop3A_267 = arith.index_cast %parallel_loop3A_259 : i32 to index
      %parallel_loop3A_268 = arith.constant 0 : index
      %parallel_loop3A_269 = tpu.vector_load %arg8[%parallel_loop3A_267, %parallel_loop3A_268] {strides = array<i32>} : memref<1024x32xf32, #tpu.memory_space<vmem>>, vector<16xf32>,
      tpu.vector_store %arg8[%parallel_loop3A_267, %parallel_loop3A_268], %parallel_loop3A_266 {add = true, strides = array<i32>} : memref<1024x32xf32, #tpu.memory_space<vmem>>, vector<16xf32>,
      %parallel_loop3A_270 = arith.index_cast %parallel_loop3A_263 : i32 to index
      %parallel_loop3A_271 = arith.constant 16 : index
      %parallel_loop3A_272 = tpu.vector_load %arg6[%parallel_loop3A_270, %parallel_loop3A_271] {strides = array<i32>} : memref<2048x32xf32, #tpu.memory_space<vmem>>, vector<16xf32>,
      %parallel_loop3A_273 = arith.index_cast %parallel_loop3A_259 : i32 to index
      %parallel_loop3A_274 = arith.constant 16 : index
      %parallel_loop3A_275 = tpu.vector_load %arg8[%parallel_loop3A_273, %parallel_loop3A_274] {strides = array<i32>} : memref<1024x32xf32, #tpu.memory_space<vmem>>, vector<16xf32>,
      tpu.vector_store %arg8[%parallel_loop3A_273, %parallel_loop3A_274], %parallel_loop3A_272 {add = true, strides = array<i32>} : memref<1024x32xf32, #tpu.memory_space<vmem>>, vector<16xf32>,
      %parallel_loop3A_276 = vector.extract_strided_slice %parallel_loop3A_41 {offsets = [13], sizes = [1], strides = [1]} : vector<16xi32> to vector<1xi32>
      %parallel_loop3A_277 = vector.extract %parallel_loop3A_276[0] : i32 from vector<1xi32>
      %parallel_loop3A_278 = arith.constant 16 : i32
      %parallel_loop3A_279 = arith.muli %parallel_loop3A_37, %parallel_loop3A_278 : i32
      %parallel_loop3A_280 = arith.constant 13 : i32
      %parallel_loop3A_281 = arith.addi %parallel_loop3A_279, %parallel_loop3A_280 : i32
      %parallel_loop3A_282 = arith.index_cast %parallel_loop3A_281 : i32 to index
      %parallel_loop3A_283 = arith.constant 0 : index
      %parallel_loop3A_284 = tpu.vector_load %arg6[%parallel_loop3A_282, %parallel_loop3A_283] {strides = array<i32>} : memref<2048x32xf32, #tpu.memory_space<vmem>>, vector<16xf32>,
      %parallel_loop3A_285 = arith.index_cast %parallel_loop3A_277 : i32 to index
      %parallel_loop3A_286 = arith.constant 0 : index
      %parallel_loop3A_287 = tpu.vector_load %arg8[%parallel_loop3A_285, %parallel_loop3A_286] {strides = array<i32>} : memref<1024x32xf32, #tpu.memory_space<vmem>>, vector<16xf32>,
      tpu.vector_store %arg8[%parallel_loop3A_285, %parallel_loop3A_286], %parallel_loop3A_284 {add = true, strides = array<i32>} : memref<1024x32xf32, #tpu.memory_space<vmem>>, vector<16xf32>,
      %parallel_loop3A_288 = arith.index_cast %parallel_loop3A_281 : i32 to index
      %parallel_loop3A_289 = arith.constant 16 : index
      %parallel_loop3A_290 = tpu.vector_load %arg6[%parallel_loop3A_288, %parallel_loop3A_289] {strides = array<i32>} : memref<2048x32xf32, #tpu.memory_space<vmem>>, vector<16xf32>,
      %parallel_loop3A_291 = arith.index_cast %parallel_loop3A_277 : i32 to index
      %parallel_loop3A_292 = arith.constant 16 : index
      %parallel_loop3A_293 = tpu.vector_load %arg8[%parallel_loop3A_291, %parallel_loop3A_292] {strides = array<i32>} : memref<1024x32xf32, #tpu.memory_space<vmem>>, vector<16xf32>,
      tpu.vector_store %arg8[%parallel_loop3A_291, %parallel_loop3A_292], %parallel_loop3A_290 {add = true, strides = array<i32>} : memref<1024x32xf32, #tpu.memory_space<vmem>>, vector<16xf32>,
      %parallel_loop3A_294 = vector.extract_strided_slice %parallel_loop3A_41 {offsets = [14], sizes = [1], strides = [1]} : vector<16xi32> to vector<1xi32>
      %parallel_loop3A_295 = vector.extract %parallel_loop3A_294[0] : i32 from vector<1xi32>
      %parallel_loop3A_296 = arith.constant 16 : i32
      %parallel_loop3A_297 = arith.muli %parallel_loop3A_37, %parallel_loop3A_296 : i32
      %parallel_loop3A_298 = arith.constant 14 : i32
      %parallel_loop3A_299 = arith.addi %parallel_loop3A_297, %parallel_loop3A_298 : i32
      %parallel_loop3A_300 = arith.index_cast %parallel_loop3A_299 : i32 to index
      %parallel_loop3A_301 = arith.constant 0 : index
      %parallel_loop3A_302 = tpu.vector_load %arg6[%parallel_loop3A_300, %parallel_loop3A_301] {strides = array<i32>} : memref<2048x32xf32, #tpu.memory_space<vmem>>, vector<16xf32>,
      %parallel_loop3A_303 = arith.index_cast %parallel_loop3A_295 : i32 to index
      %parallel_loop3A_304 = arith.constant 0 : index
      %parallel_loop3A_305 = tpu.vector_load %arg8[%parallel_loop3A_303, %parallel_loop3A_304] {strides = array<i32>} : memref<1024x32xf32, #tpu.memory_space<vmem>>, vector<16xf32>,
      tpu.vector_store %arg8[%parallel_loop3A_303, %parallel_loop3A_304], %parallel_loop3A_302 {add = true, strides = array<i32>} : memref<1024x32xf32, #tpu.memory_space<vmem>>, vector<16xf32>,
      %parallel_loop3A_306 = arith.index_cast %parallel_loop3A_299 : i32 to index
      %parallel_loop3A_307 = arith.constant 16 : index
      %parallel_loop3A_308 = tpu.vector_load %arg6[%parallel_loop3A_306, %parallel_loop3A_307] {strides = array<i32>} : memref<2048x32xf32, #tpu.memory_space<vmem>>, vector<16xf32>,
      %parallel_loop3A_309 = arith.index_cast %parallel_loop3A_295 : i32 to index
      %parallel_loop3A_310 = arith.constant 16 : index
      %parallel_loop3A_311 = tpu.vector_load %arg8[%parallel_loop3A_309, %parallel_loop3A_310] {strides = array<i32>} : memref<1024x32xf32, #tpu.memory_space<vmem>>, vector<16xf32>,
      tpu.vector_store %arg8[%parallel_loop3A_309, %parallel_loop3A_310], %parallel_loop3A_308 {add = true, strides = array<i32>} : memref<1024x32xf32, #tpu.memory_space<vmem>>, vector<16xf32>,
      %parallel_loop3A_312 = vector.extract_strided_slice %parallel_loop3A_41 {offsets = [15], sizes = [1], strides = [1]} : vector<16xi32> to vector<1xi32>
      %parallel_loop3A_313 = vector.extract %parallel_loop3A_312[0] : i32 from vector<1xi32>
      %parallel_loop3A_314 = arith.constant 16 : i32
      %parallel_loop3A_315 = arith.muli %parallel_loop3A_37, %parallel_loop3A_314 : i32
      %parallel_loop3A_316 = arith.constant 15 : i32
      %parallel_loop3A_317 = arith.addi %parallel_loop3A_315, %parallel_loop3A_316 : i32
      %parallel_loop3A_318 = arith.index_cast %parallel_loop3A_317 : i32 to index
      %parallel_loop3A_319 = arith.constant 0 : index
      %parallel_loop3A_320 = tpu.vector_load %arg6[%parallel_loop3A_318, %parallel_loop3A_319] {strides = array<i32>} : memref<2048x32xf32, #tpu.memory_space<vmem>>, vector<16xf32>,
      %parallel_loop3A_321 = arith.index_cast %parallel_loop3A_313 : i32 to index
      %parallel_loop3A_322 = arith.constant 0 : index
      %parallel_loop3A_323 = tpu.vector_load %arg8[%parallel_loop3A_321, %parallel_loop3A_322] {strides = array<i32>} : memref<1024x32xf32, #tpu.memory_space<vmem>>, vector<16xf32>,
      tpu.vector_store %arg8[%parallel_loop3A_321, %parallel_loop3A_322], %parallel_loop3A_320 {add = true, strides = array<i32>} : memref<1024x32xf32, #tpu.memory_space<vmem>>, vector<16xf32>,
      %parallel_loop3A_324 = arith.index_cast %parallel_loop3A_317 : i32 to index
      %parallel_loop3A_325 = arith.constant 16 : index
      %parallel_loop3A_326 = tpu.vector_load %arg6[%parallel_loop3A_324, %parallel_loop3A_325] {strides = array<i32>} : memref<2048x32xf32, #tpu.memory_space<vmem>>, vector<16xf32>,
      %parallel_loop3A_327 = arith.index_cast %parallel_loop3A_313 : i32 to index
      %parallel_loop3A_328 = arith.constant 16 : index
      %parallel_loop3A_329 = tpu.vector_load %arg8[%parallel_loop3A_327, %parallel_loop3A_328] {strides = array<i32>} : memref<1024x32xf32, #tpu.memory_space<vmem>>, vector<16xf32>,
      tpu.vector_store %arg8[%parallel_loop3A_327, %parallel_loop3A_328], %parallel_loop3A_326 {add = true, strides = array<i32>} : memref<1024x32xf32, #tpu.memory_space<vmem>>, vector<16xf32>,
    } {sc.loop_unroll_factor = 2 : i64, sc.parallel_access}
    "tpu.region"() ({
      %run_scoped3A = tpu.sem_alloc : memref<!tpu.dma_semaphore, #tpu.memory_space<semaphore_mem>>
      %dma_start3A = arith.constant 0 : i32
      %dma_start3A_37 = arith.constant 0 : i32
      %dma_start3A_38 = tpu.memref_slice %arg5[%add3A, %dma_start3A, %dma_start3A_37] : memref<32x1024x32xf32, #tpu.memory_space<hbm>> -> memref<1x1024x32xf32, #tpu.memory_space<hbm>>
      %dma_start3A_39 = tpu.memref_squeeze %dma_start3A_38 : memref<1x1024x32xf32, #tpu.memory_space<hbm>> -> memref<1024x32xf32, #tpu.memory_space<hbm>>
      %dma_start3A_40 = arith.constant 0 : i32
      %dma_start3A_41 = arith.constant 0 : i32
      %dma_start3A_42 = tpu.memref_slice %arg5[%add3A, %dma_start3A_40, %dma_start3A_41] : memref<32x1024x32xf32, #tpu.memory_space<hbm>> -> memref<1x1024x32xf32, #tpu.memory_space<hbm>>
      %dma_start3A_43 = tpu.memref_squeeze %dma_start3A_42 : memref<1x1024x32xf32, #tpu.memory_space<hbm>> -> memref<1024x32xf32, #tpu.memory_space<hbm>>
      tpu.enqueue_dma source(%arg8 : memref<1024x32xf32, #tpu.memory_space<vmem>>) target(%dma_start3A_43 : memref<1024x32xf32, #tpu.memory_space<hbm>>) target_semaphore(%run_scoped3A : memref<!tpu.dma_semaphore, #tpu.memory_space<semaphore_mem>>)
      %dma_wait3A = arith.constant 0 : i32
      %dma_wait3A_44 = arith.constant 0 : i32
      %dma_wait3A_45 = tpu.memref_slice %arg5[%add3A, %dma_wait3A, %dma_wait3A_44] : memref<32x1024x32xf32, #tpu.memory_space<hbm>> -> memref<1x1024x32xf32, #tpu.memory_space<hbm>>
      %dma_wait3A_46 = tpu.memref_squeeze %dma_wait3A_45 : memref<1x1024x32xf32, #tpu.memory_space<hbm>> -> memref<1024x32xf32, #tpu.memory_space<hbm>>
      %dma_wait3A_47 = arith.constant 0 : i32
      %dma_wait3A_48 = arith.constant 0 : i32
      %dma_wait3A_49 = tpu.memref_slice %arg5[%add3A, %dma_wait3A_47, %dma_wait3A_48] : memref<32x1024x32xf32, #tpu.memory_space<hbm>> -> memref<1x1024x32xf32, #tpu.memory_space<hbm>>
      %dma_wait3A_50 = tpu.memref_squeeze %dma_wait3A_49 : memref<1x1024x32xf32, #tpu.memory_space<hbm>> -> memref<1024x32xf32, #tpu.memory_space<hbm>>
      tpu.wait_dma2 semaphore(%run_scoped3A : memref<!tpu.dma_semaphore, #tpu.memory_space<semaphore_mem>>) src(%arg8 : memref<1024x32xf32, #tpu.memory_space<vmem>>) dst(%dma_wait3A_50 : memref<1024x32xf32, #tpu.memory_space<hbm>>)
      tpu.yield
    }) : () -> ()
    return
  }
}

module attributes {stable_mosaic.version = 14 : i64} {
  func.func @_assign_body(%arg0: i32, %arg1: memref<4096x256xf32, #tpu.memory_space<vmem>>, %arg2: memref<256x1024xf32, #tpu.memory_space<vmem>>, %arg3: memref<4096x1xi32, #tpu.memory_space<vmem>>, %arg4: memref<1x1024xf32, #tpu.memory_space<vmem>>) attributes {dimension_semantics = [#tpu.dimension_semantics<arbitrary>], iteration_bounds = array<i64: 2>, scalar_prefetch = 0 : i64, scratch_operands = 0 : i64, tpu.core_type = #tpu.core_type<tc>, window_params = [{transform_indices = @transform_0, window_bounds = array<i64: 4096, 256>}, {pipeline_mode = #tpu.pipeline_mode<synchronous>, transform_indices = @transform_1, window_bounds = array<i64: 256, 1024>}, {transform_indices = @transform_2, window_bounds = array<i64: 4096, 1>}, {pipeline_mode = #tpu.pipeline_mode<synchronous>, transform_indices = @transform_3, window_bounds = array<i64: 1, 1024>}]} {
    %get3A = arith.constant 0 : index
    %get3A_0 = arith.constant 0 : index
    %get3A_1 = vector.load %arg1[%get3A, %get3A_0] : memref<4096x256xf32, #tpu.memory_space<vmem>>, vector<4096x256xf32>
    %get3A_2 = arith.constant 0 : index
    %get3A_3 = arith.constant 0 : index
    %get3A_4 = vector.load %arg2[%get3A_2, %get3A_3] : memref<256x1024xf32, #tpu.memory_space<vmem>>, vector<256x1024xf32>
    %dot_general3A = arith.constant dense<0.000000e+00> : vector<4096x1024xf32>
    %dot_general3A_5 = tpu.matmul %get3A_1, %get3A_4, %dot_general3A {dimension_numbers = #tpu.dot_dimension_numbers<[1], [0], [0], [1], [0, 0, 1, 1], [], []>, transpose_lhs_hint = false} : vector<4096x256xf32>, vector<256x1024xf32>, vector<4096x1024xf32> -> vector<4096x1024xf32>
    %mul3A = arith.mulf %get3A_4, %get3A_4 : vector<256x1024xf32>
    %reduce_sum3A = arith.constant dense<0.000000e+00> : vector<1024xf32>
    %reduce_sum3A_6 = vector.multi_reduction <add>, %mul3A, %reduce_sum3A [0] : vector<256x1024xf32> to vector<1024xf32>
    %broadcast_in_dim3A = vector.shape_cast %reduce_sum3A_6 : vector<1024xf32> to vector<1x1024xf32>
    %mul3A_7 = arith.constant 2.000000e+00 : f32
    %mul3A_8 = vector.broadcast %mul3A_7 : f32 to vector<4096x1024xf32>
    %mul3A_9 = arith.mulf %mul3A_8, %dot_general3A_5 : vector<4096x1024xf32>
    %sub3A = vector.broadcast %broadcast_in_dim3A : vector<1x1024xf32> to vector<4096x1024xf32>
    %sub3A_10 = arith.subf %sub3A, %mul3A_9 : vector<4096x1024xf32>
    %reduce_min3A = arith.constant dense<0x7F800000> : vector<4096xf32>
    %reduce_min3A_11 = vector.multi_reduction <minimumf>, %sub3A_10, %reduce_min3A [1] : vector<4096x1024xf32> to vector<4096xf32>
    %broadcast_in_dim3A_12 = vector.shape_cast %reduce_min3A_11 : vector<4096xf32> to vector<4096x1xf32>
    %iota3A = tpu.iota {dimensions = array<i32: 1>} : vector<4096x1024xi32>
    %eq3A = vector.broadcast %broadcast_in_dim3A_12 : vector<4096x1xf32> to vector<4096x1024xf32>
    %eq3A_13 = arith.cmpf oeq, %sub3A_10, %eq3A : vector<4096x1024xf32>
    %jit3A = arith.constant 1024 : i32
    %broadcast_in_dim3A_14 = vector.broadcast %jit3A : i32 to vector<4096x1024xi32>
    %select_n3A = arith.select %eq3A_13, %iota3A, %broadcast_in_dim3A_14 : vector<4096x1024xi1>, vector<4096x1024xi32>
    %reduce_min3A_15 = arith.constant dense<2147483647> : vector<4096xi32>
    %reduce_min3A_16 = vector.multi_reduction <minsi>, %select_n3A, %reduce_min3A_15 [1] : vector<4096x1024xi32> to vector<4096xi32>
    %broadcast_in_dim3A_17 = vector.shape_cast %reduce_min3A_16 : vector<4096xi32> to vector<4096x1xi32>
    %swap3A = arith.constant 0 : index
    %swap3A_18 = arith.constant 0 : index
    %swap3A_19 = vector.load %arg3[%swap3A, %swap3A_18] : memref<4096x1xi32, #tpu.memory_space<vmem>>, vector<4096x1xi32>
    tpu.vector_store %arg3[%swap3A, %swap3A_18], %broadcast_in_dim3A_17 {strides = array<i32>} : memref<4096x1xi32, #tpu.memory_space<vmem>>, vector<4096x1xi32>,
    %eq3A_20 = arith.constant 0 : i32
    %eq3A_21 = arith.cmpi eq, %arg0, %eq3A_20 : i32
    %convert_element_type3A = arith.extui %eq3A_21 : i1 to i32
    %cond3A = arith.constant 0 : i32
    %cond3A_22 = arith.cmpi ne, %convert_element_type3A, %cond3A : i32
    scf.if %cond3A_22 {
      %broadcast_in_dim3A_36 = arith.constant 0.000000e+00 : f32
      %broadcast_in_dim3A_37 = vector.broadcast %broadcast_in_dim3A_36 : f32 to vector<1x1024xf32>
      %swap3A_38 = arith.constant 0 : index
      %swap3A_39 = arith.constant 0 : index
      %swap3A_40 = vector.load %arg4[%swap3A_38, %swap3A_39] : memref<1x1024xf32, #tpu.memory_space<vmem>>, vector<1x1024xf32>
      tpu.vector_store %arg4[%swap3A_38, %swap3A_39], %broadcast_in_dim3A_37 {strides = array<i32>} : memref<1x1024xf32, #tpu.memory_space<vmem>>, vector<1x1024xf32>,
    } else {
    }
    %eq3A_23 = vector.broadcast %broadcast_in_dim3A_17 : vector<4096x1xi32> to vector<4096x1024xi32>
    %eq3A_24 = arith.cmpi eq, %eq3A_23, %iota3A : vector<4096x1024xi32>
    %convert_element_type3A_25 = arith.extui %eq3A_24 : vector<4096x1024xi1> to vector<4096x1024xi32>
    %convert_element_type3A_26 = arith.sitofp %convert_element_type3A_25 : vector<4096x1024xi32> to vector<4096x1024xf32>
    %get3A_27 = arith.constant 0 : index
    %get3A_28 = arith.constant 0 : index
    %get3A_29 = vector.load %arg4[%get3A_27, %get3A_28] : memref<1x1024xf32, #tpu.memory_space<vmem>>, vector<1x1024xf32>
    %reduce_sum3A_30 = arith.constant dense<0.000000e+00> : vector<1024xf32>
    %reduce_sum3A_31 = vector.multi_reduction <add>, %convert_element_type3A_26, %reduce_sum3A_30 [0] : vector<4096x1024xf32> to vector<1024xf32>
    %broadcast_in_dim3A_32 = vector.shape_cast %reduce_sum3A_31 : vector<1024xf32> to vector<1x1024xf32>
    %add3A = arith.addf %get3A_29, %broadcast_in_dim3A_32 : vector<1x1024xf32>
    %swap3A_33 = arith.constant 0 : index
    %swap3A_34 = arith.constant 0 : index
    %swap3A_35 = vector.load %arg4[%swap3A_33, %swap3A_34] : memref<1x1024xf32, #tpu.memory_space<vmem>>, vector<1x1024xf32>
    tpu.vector_store %arg4[%swap3A_33, %swap3A_34], %add3A {strides = array<i32>} : memref<1x1024xf32, #tpu.memory_space<vmem>>, vector<1x1024xf32>,
    return
  }
  func.func @transform_0(%arg0: i32) -> (i32, i32) {
    %c0_i32 = arith.constant 0 : i32
    %c0_i32_0 = arith.constant 0 : i32
    return %arg0, %c0_i32 : i32, i32
  }
  func.func @transform_1(%arg0: i32) -> (i32, i32) {
    %c0_i32 = arith.constant 0 : i32
    %c0_i32_0 = arith.constant 0 : i32
    %c0_i32_1 = arith.constant 0 : i32
    return %c0_i32, %c0_i32_0 : i32, i32
  }
  func.func @transform_2(%arg0: i32) -> (i32, i32) {
    %c0_i32 = arith.constant 0 : i32
    %c0_i32_0 = arith.constant 0 : i32
    return %arg0, %c0_i32 : i32, i32
  }
  func.func @transform_3(%arg0: i32) -> (i32, i32) {
    %c0_i32 = arith.constant 0 : i32
    %c0_i32_0 = arith.constant 0 : i32
    %c0_i32_1 = arith.constant 0 : i32
    return %c0_i32, %c0_i32_0 : i32, i32
  }
}

module attributes {stable_mosaic.version = 14 : i64} {
  func.func @_finalize_body(%arg0: memref<32x1024x32xf32, #tpu.memory_space<vmem>>, %arg1: memref<1024x1xf32, #tpu.memory_space<vmem>>, %arg2: memref<1024x256xf32, #tpu.memory_space<vmem>>, %arg3: memref<1024x256xf32, #tpu.memory_space<vmem>>, %arg4: memref<1x1xf32, #tpu.memory_space<smem>>, %arg5: memref<1x1xf32, #tpu.memory_space<smem>>, %arg6: memref<1x1xf32, #tpu.memory_space<smem>>) attributes {dimension_semantics = [], scalar_prefetch = 0 : i64, scratch_operands = 0 : i64, tpu.core_type = #tpu.core_type<tc>} {
    %get3A = arith.constant 0 : index
    %get3A_0 = arith.constant 0 : index
    %get3A_1 = vector.load %arg1[%get3A, %get3A_0] : memref<1024x1xf32, #tpu.memory_space<vmem>>, vector<1024x1xf32>
    %get3A_2 = arith.constant 0 : index
    %get3A_3 = arith.constant 0 : index
    %get3A_4 = vector.load %arg2[%get3A_2, %get3A_3] : memref<1024x256xf32, #tpu.memory_space<vmem>>, vector<1024x256xf32>
    %mul3A = arith.mulf %get3A_4, %get3A_4 : vector<1024x256xf32>
    %reduce_sum3A = arith.constant dense<0.000000e+00> : vector<1024xf32>
    %reduce_sum3A_5 = vector.multi_reduction <add>, %mul3A, %reduce_sum3A [1] : vector<1024x256xf32> to vector<1024xf32>
    %broadcast_in_dim3A = vector.shape_cast %reduce_sum3A_5 : vector<1024xf32> to vector<1024x1xf32>
    %reduce_sum3A_6 = vector.shape_cast %broadcast_in_dim3A : vector<1024x1xf32> to vector<1x1024x1xf32>
    %reduce_sum3A_7 = arith.constant dense<0.000000e+00> : vector<1xf32>
    %reduce_sum3A_8 = vector.multi_reduction <add>, %reduce_sum3A_6, %reduce_sum3A_7 [1, 2] : vector<1x1024x1xf32> to vector<1xf32>
    %reduce_sum3A_9 = vector.shape_cast %reduce_sum3A_8 : vector<1xf32> to vector<1x1x1xf32>
    %reduce_sum3A_10 = vector.extract %reduce_sum3A_9[0, 0, 0] : f32 from vector<1x1x1xf32>
    %reduce_sum3A_11 = arith.constant dense<0.000000e+00> : vector<256xf32>
    %reduce_sum3A_12 = vector.multi_reduction <add>, %get3A_4, %reduce_sum3A_11 [0] : vector<1024x256xf32> to vector<256xf32>
    %broadcast_in_dim3A_13 = vector.shape_cast %reduce_sum3A_12 : vector<256xf32> to vector<1x256xf32>
    %mul3A_14 = arith.constant 2.048000e+03 : f32
    %mul3A_15 = arith.mulf %mul3A_14, %reduce_sum3A_10 : f32
    %mul3A_16 = arith.mulf %broadcast_in_dim3A_13, %broadcast_in_dim3A_13 : vector<1x256xf32>
    %reduce_sum3A_17 = vector.shape_cast %mul3A_16 : vector<1x256xf32> to vector<1x1x256xf32>
    %reduce_sum3A_18 = arith.constant dense<0.000000e+00> : vector<1xf32>
    %reduce_sum3A_19 = vector.multi_reduction <add>, %reduce_sum3A_17, %reduce_sum3A_18 [1, 2] : vector<1x1x256xf32> to vector<1xf32>
    %reduce_sum3A_20 = vector.shape_cast %reduce_sum3A_19 : vector<1xf32> to vector<1x1x1xf32>
    %reduce_sum3A_21 = vector.extract %reduce_sum3A_20[0, 0, 0] : f32 from vector<1x1x1xf32>
    %mul3A_22 = arith.constant 2.000000e+00 : f32
    %mul3A_23 = arith.mulf %mul3A_22, %reduce_sum3A_21 : f32
    %sub3A = arith.subf %mul3A_15, %mul3A_23 : f32
    %get3A_24 = arith.constant 0 : index
    %get3A_25 = arith.constant 0 : index
    %get3A_26 = vector.load %arg3[%get3A_24, %get3A_25] : memref<1024x256xf32, #tpu.memory_space<vmem>>, vector<1024x256xf32>
    %mul3A_27 = arith.mulf %get3A_26, %get3A_26 : vector<1024x256xf32>
    %reduce_sum3A_28 = arith.constant dense<0.000000e+00> : vector<1024xf32>
    %reduce_sum3A_29 = vector.multi_reduction <add>, %mul3A_27, %reduce_sum3A_28 [1] : vector<1024x256xf32> to vector<1024xf32>
    %broadcast_in_dim3A_30 = vector.shape_cast %reduce_sum3A_29 : vector<1024xf32> to vector<1024x1xf32>
    %mul3A_31 = vector.broadcast %broadcast_in_dim3A_13 : vector<1x256xf32> to vector<1024x256xf32>
    %mul3A_32 = arith.mulf %get3A_26, %mul3A_31 : vector<1024x256xf32>
    %reduce_sum3A_33 = arith.constant dense<0.000000e+00> : vector<1024xf32>
    %reduce_sum3A_34 = vector.multi_reduction <add>, %mul3A_32, %reduce_sum3A_33 [1] : vector<1024x256xf32> to vector<1024xf32>
    %broadcast_in_dim3A_35 = vector.shape_cast %reduce_sum3A_34 : vector<1024xf32> to vector<1024x1xf32>
    %mul3A_36 = arith.constant 1.024000e+03 : f32
    %mul3A_37 = vector.broadcast %mul3A_36 : f32 to vector<1024x1xf32>
    %mul3A_38 = arith.mulf %mul3A_37, %broadcast_in_dim3A_30 : vector<1024x1xf32>
    %add3A = vector.broadcast %reduce_sum3A_10 : f32 to vector<1024x1xf32>
    %add3A_39 = arith.addf %add3A, %mul3A_38 : vector<1024x1xf32>
    %mul3A_40 = arith.constant 2.000000e+00 : f32
    %mul3A_41 = vector.broadcast %mul3A_40 : f32 to vector<1024x1xf32>
    %mul3A_42 = arith.mulf %mul3A_41, %broadcast_in_dim3A_35 : vector<1024x1xf32>
    %sub3A_43 = arith.subf %add3A_39, %mul3A_42 : vector<1024x1xf32>
    %gt3A = arith.constant 0.000000e+00 : f32
    %gt3A_44 = vector.broadcast %gt3A : f32 to vector<1024x1xf32>
    %gt3A_45 = arith.cmpf ogt, %get3A_1, %gt3A_44 : vector<1024x1xf32>
    %jit3A = arith.constant 1.000000e+00 : f32
    %broadcast_in_dim3A_46 = vector.broadcast %jit3A : f32 to vector<1024x1xf32>
    %select_n3A = arith.select %gt3A_45, %get3A_1, %broadcast_in_dim3A_46 : vector<1024x1xi1>, vector<1024x1xf32>
    %broadcast_in_dim3A_47 = arith.constant 0.000000e+00 : f32
    %broadcast_in_dim3A_48 = vector.broadcast %broadcast_in_dim3A_47 : f32 to vector<1024x1xf32>
    %get3A_49 = arith.constant 0 : index
    %get3A_50 = arith.constant 0 : index
    %get3A_51 = arith.constant 0 : index
    %get3A_52 = vector.load %arg0[%get3A_49, %get3A_50, %get3A_51] : memref<32x1024x32xf32, #tpu.memory_space<vmem>>, vector<1x1024x32xf32>
    %get3A_53 = vector.shape_cast %get3A_52 : vector<1x1024x32xf32> to vector<1024x32xf32>
    %get3A_54 = arith.constant 8 : index
    %get3A_55 = arith.constant 0 : index
    %get3A_56 = arith.constant 0 : index
    %get3A_57 = vector.load %arg0[%get3A_54, %get3A_55, %get3A_56] : memref<32x1024x32xf32, #tpu.memory_space<vmem>>, vector<1x1024x32xf32>
    %get3A_58 = vector.shape_cast %get3A_57 : vector<1x1024x32xf32> to vector<1024x32xf32>
    %add3A_59 = arith.addf %get3A_53, %get3A_58 : vector<1024x32xf32>
    %get3A_60 = arith.constant 16 : index
    %get3A_61 = arith.constant 0 : index
    %get3A_62 = arith.constant 0 : index
    %get3A_63 = vector.load %arg0[%get3A_60, %get3A_61, %get3A_62] : memref<32x1024x32xf32, #tpu.memory_space<vmem>>, vector<1x1024x32xf32>
    %get3A_64 = vector.shape_cast %get3A_63 : vector<1x1024x32xf32> to vector<1024x32xf32>
    %add3A_65 = arith.addf %add3A_59, %get3A_64 : vector<1024x32xf32>
    %get3A_66 = arith.constant 24 : index
    %get3A_67 = arith.constant 0 : index
    %get3A_68 = arith.constant 0 : index
    %get3A_69 = vector.load %arg0[%get3A_66, %get3A_67, %get3A_68] : memref<32x1024x32xf32, #tpu.memory_space<vmem>>, vector<1x1024x32xf32>
    %get3A_70 = vector.shape_cast %get3A_69 : vector<1x1024x32xf32> to vector<1024x32xf32>
    %add3A_71 = arith.addf %add3A_65, %get3A_70 : vector<1024x32xf32>
    %div3A = vector.broadcast %select_n3A : vector<1024x1xf32> to vector<1024x32xf32>
    %div3A_72 = arith.divf %add3A_71, %div3A : vector<1024x32xf32>
    %get3A_73 = arith.constant 0 : index
    %get3A_74 = arith.constant 0 : index
    %get3A_75 = vector.load %arg2[%get3A_73, %get3A_74] : memref<1024x256xf32, #tpu.memory_space<vmem>>, vector<1024x32xf32>
    %sub3A_76 = arith.subf %div3A_72, %get3A_75 : vector<1024x32xf32>
    %mul3A_77 = arith.mulf %sub3A_76, %sub3A_76 : vector<1024x32xf32>
    %reduce_sum3A_78 = arith.constant dense<0.000000e+00> : vector<1024xf32>
    %reduce_sum3A_79 = vector.multi_reduction <add>, %mul3A_77, %reduce_sum3A_78 [1] : vector<1024x32xf32> to vector<1024xf32>
    %broadcast_in_dim3A_80 = vector.shape_cast %reduce_sum3A_79 : vector<1024xf32> to vector<1024x1xf32>
    %add3A_81 = arith.addf %broadcast_in_dim3A_48, %broadcast_in_dim3A_80 : vector<1024x1xf32>
    %get3A_82 = arith.constant 1 : index
    %get3A_83 = arith.constant 0 : index
    %get3A_84 = arith.constant 0 : index
    %get3A_85 = vector.load %arg0[%get3A_82, %get3A_83, %get3A_84] : memref<32x1024x32xf32, #tpu.memory_space<vmem>>, vector<1x1024x32xf32>
    %get3A_86 = vector.shape_cast %get3A_85 : vector<1x1024x32xf32> to vector<1024x32xf32>
    %get3A_87 = arith.constant 9 : index
    %get3A_88 = arith.constant 0 : index
    %get3A_89 = arith.constant 0 : index
    %get3A_90 = vector.load %arg0[%get3A_87, %get3A_88, %get3A_89] : memref<32x1024x32xf32, #tpu.memory_space<vmem>>, vector<1x1024x32xf32>
    %get3A_91 = vector.shape_cast %get3A_90 : vector<1x1024x32xf32> to vector<1024x32xf32>
    %add3A_92 = arith.addf %get3A_86, %get3A_91 : vector<1024x32xf32>
    %get3A_93 = arith.constant 17 : index
    %get3A_94 = arith.constant 0 : index
    %get3A_95 = arith.constant 0 : index
    %get3A_96 = vector.load %arg0[%get3A_93, %get3A_94, %get3A_95] : memref<32x1024x32xf32, #tpu.memory_space<vmem>>, vector<1x1024x32xf32>
    %get3A_97 = vector.shape_cast %get3A_96 : vector<1x1024x32xf32> to vector<1024x32xf32>
    %add3A_98 = arith.addf %add3A_92, %get3A_97 : vector<1024x32xf32>
    %get3A_99 = arith.constant 25 : index
    %get3A_100 = arith.constant 0 : index
    %get3A_101 = arith.constant 0 : index
    %get3A_102 = vector.load %arg0[%get3A_99, %get3A_100, %get3A_101] : memref<32x1024x32xf32, #tpu.memory_space<vmem>>, vector<1x1024x32xf32>
    %get3A_103 = vector.shape_cast %get3A_102 : vector<1x1024x32xf32> to vector<1024x32xf32>
    %add3A_104 = arith.addf %add3A_98, %get3A_103 : vector<1024x32xf32>
    %div3A_105 = vector.broadcast %select_n3A : vector<1024x1xf32> to vector<1024x32xf32>
    %div3A_106 = arith.divf %add3A_104, %div3A_105 : vector<1024x32xf32>
    %get3A_107 = arith.constant 0 : index
    %get3A_108 = arith.constant 32 : index
    %get3A_109 = vector.load %arg2[%get3A_107, %get3A_108] : memref<1024x256xf32, #tpu.memory_space<vmem>>, vector<1024x32xf32>
    %sub3A_110 = arith.subf %div3A_106, %get3A_109 : vector<1024x32xf32>
    %mul3A_111 = arith.mulf %sub3A_110, %sub3A_110 : vector<1024x32xf32>
    %reduce_sum3A_112 = arith.constant dense<0.000000e+00> : vector<1024xf32>
    %reduce_sum3A_113 = vector.multi_reduction <add>, %mul3A_111, %reduce_sum3A_112 [1] : vector<1024x32xf32> to vector<1024xf32>
    %broadcast_in_dim3A_114 = vector.shape_cast %reduce_sum3A_113 : vector<1024xf32> to vector<1024x1xf32>
    %add3A_115 = arith.addf %add3A_81, %broadcast_in_dim3A_114 : vector<1024x1xf32>
    %get3A_116 = arith.constant 2 : index
    %get3A_117 = arith.constant 0 : index
    %get3A_118 = arith.constant 0 : index
    %get3A_119 = vector.load %arg0[%get3A_116, %get3A_117, %get3A_118] : memref<32x1024x32xf32, #tpu.memory_space<vmem>>, vector<1x1024x32xf32>
    %get3A_120 = vector.shape_cast %get3A_119 : vector<1x1024x32xf32> to vector<1024x32xf32>
    %get3A_121 = arith.constant 10 : index
    %get3A_122 = arith.constant 0 : index
    %get3A_123 = arith.constant 0 : index
    %get3A_124 = vector.load %arg0[%get3A_121, %get3A_122, %get3A_123] : memref<32x1024x32xf32, #tpu.memory_space<vmem>>, vector<1x1024x32xf32>
    %get3A_125 = vector.shape_cast %get3A_124 : vector<1x1024x32xf32> to vector<1024x32xf32>
    %add3A_126 = arith.addf %get3A_120, %get3A_125 : vector<1024x32xf32>
    %get3A_127 = arith.constant 18 : index
    %get3A_128 = arith.constant 0 : index
    %get3A_129 = arith.constant 0 : index
    %get3A_130 = vector.load %arg0[%get3A_127, %get3A_128, %get3A_129] : memref<32x1024x32xf32, #tpu.memory_space<vmem>>, vector<1x1024x32xf32>
    %get3A_131 = vector.shape_cast %get3A_130 : vector<1x1024x32xf32> to vector<1024x32xf32>
    %add3A_132 = arith.addf %add3A_126, %get3A_131 : vector<1024x32xf32>
    %get3A_133 = arith.constant 26 : index
    %get3A_134 = arith.constant 0 : index
    %get3A_135 = arith.constant 0 : index
    %get3A_136 = vector.load %arg0[%get3A_133, %get3A_134, %get3A_135] : memref<32x1024x32xf32, #tpu.memory_space<vmem>>, vector<1x1024x32xf32>
    %get3A_137 = vector.shape_cast %get3A_136 : vector<1x1024x32xf32> to vector<1024x32xf32>
    %add3A_138 = arith.addf %add3A_132, %get3A_137 : vector<1024x32xf32>
    %div3A_139 = vector.broadcast %select_n3A : vector<1024x1xf32> to vector<1024x32xf32>
    %div3A_140 = arith.divf %add3A_138, %div3A_139 : vector<1024x32xf32>
    %get3A_141 = arith.constant 0 : index
    %get3A_142 = arith.constant 64 : index
    %get3A_143 = vector.load %arg2[%get3A_141, %get3A_142] : memref<1024x256xf32, #tpu.memory_space<vmem>>, vector<1024x32xf32>
    %sub3A_144 = arith.subf %div3A_140, %get3A_143 : vector<1024x32xf32>
    %mul3A_145 = arith.mulf %sub3A_144, %sub3A_144 : vector<1024x32xf32>
    %reduce_sum3A_146 = arith.constant dense<0.000000e+00> : vector<1024xf32>
    %reduce_sum3A_147 = vector.multi_reduction <add>, %mul3A_145, %reduce_sum3A_146 [1] : vector<1024x32xf32> to vector<1024xf32>
    %broadcast_in_dim3A_148 = vector.shape_cast %reduce_sum3A_147 : vector<1024xf32> to vector<1024x1xf32>
    %add3A_149 = arith.addf %add3A_115, %broadcast_in_dim3A_148 : vector<1024x1xf32>
    %get3A_150 = arith.constant 3 : index
    %get3A_151 = arith.constant 0 : index
    %get3A_152 = arith.constant 0 : index
    %get3A_153 = vector.load %arg0[%get3A_150, %get3A_151, %get3A_152] : memref<32x1024x32xf32, #tpu.memory_space<vmem>>, vector<1x1024x32xf32>
    %get3A_154 = vector.shape_cast %get3A_153 : vector<1x1024x32xf32> to vector<1024x32xf32>
    %get3A_155 = arith.constant 11 : index
    %get3A_156 = arith.constant 0 : index
    %get3A_157 = arith.constant 0 : index
    %get3A_158 = vector.load %arg0[%get3A_155, %get3A_156, %get3A_157] : memref<32x1024x32xf32, #tpu.memory_space<vmem>>, vector<1x1024x32xf32>
    %get3A_159 = vector.shape_cast %get3A_158 : vector<1x1024x32xf32> to vector<1024x32xf32>
    %add3A_160 = arith.addf %get3A_154, %get3A_159 : vector<1024x32xf32>
    %get3A_161 = arith.constant 19 : index
    %get3A_162 = arith.constant 0 : index
    %get3A_163 = arith.constant 0 : index
    %get3A_164 = vector.load %arg0[%get3A_161, %get3A_162, %get3A_163] : memref<32x1024x32xf32, #tpu.memory_space<vmem>>, vector<1x1024x32xf32>
    %get3A_165 = vector.shape_cast %get3A_164 : vector<1x1024x32xf32> to vector<1024x32xf32>
    %add3A_166 = arith.addf %add3A_160, %get3A_165 : vector<1024x32xf32>
    %get3A_167 = arith.constant 27 : index
    %get3A_168 = arith.constant 0 : index
    %get3A_169 = arith.constant 0 : index
    %get3A_170 = vector.load %arg0[%get3A_167, %get3A_168, %get3A_169] : memref<32x1024x32xf32, #tpu.memory_space<vmem>>, vector<1x1024x32xf32>
    %get3A_171 = vector.shape_cast %get3A_170 : vector<1x1024x32xf32> to vector<1024x32xf32>
    %add3A_172 = arith.addf %add3A_166, %get3A_171 : vector<1024x32xf32>
    %div3A_173 = vector.broadcast %select_n3A : vector<1024x1xf32> to vector<1024x32xf32>
    %div3A_174 = arith.divf %add3A_172, %div3A_173 : vector<1024x32xf32>
    %get3A_175 = arith.constant 0 : index
    %get3A_176 = arith.constant 96 : index
    %get3A_177 = vector.load %arg2[%get3A_175, %get3A_176] : memref<1024x256xf32, #tpu.memory_space<vmem>>, vector<1024x32xf32>
    %sub3A_178 = arith.subf %div3A_174, %get3A_177 : vector<1024x32xf32>
    %mul3A_179 = arith.mulf %sub3A_178, %sub3A_178 : vector<1024x32xf32>
    %reduce_sum3A_180 = arith.constant dense<0.000000e+00> : vector<1024xf32>
    %reduce_sum3A_181 = vector.multi_reduction <add>, %mul3A_179, %reduce_sum3A_180 [1] : vector<1024x32xf32> to vector<1024xf32>
    %broadcast_in_dim3A_182 = vector.shape_cast %reduce_sum3A_181 : vector<1024xf32> to vector<1024x1xf32>
    %add3A_183 = arith.addf %add3A_149, %broadcast_in_dim3A_182 : vector<1024x1xf32>
    %get3A_184 = arith.constant 4 : index
    %get3A_185 = arith.constant 0 : index
    %get3A_186 = arith.constant 0 : index
    %get3A_187 = vector.load %arg0[%get3A_184, %get3A_185, %get3A_186] : memref<32x1024x32xf32, #tpu.memory_space<vmem>>, vector<1x1024x32xf32>
    %get3A_188 = vector.shape_cast %get3A_187 : vector<1x1024x32xf32> to vector<1024x32xf32>
    %get3A_189 = arith.constant 12 : index
    %get3A_190 = arith.constant 0 : index
    %get3A_191 = arith.constant 0 : index
    %get3A_192 = vector.load %arg0[%get3A_189, %get3A_190, %get3A_191] : memref<32x1024x32xf32, #tpu.memory_space<vmem>>, vector<1x1024x32xf32>
    %get3A_193 = vector.shape_cast %get3A_192 : vector<1x1024x32xf32> to vector<1024x32xf32>
    %add3A_194 = arith.addf %get3A_188, %get3A_193 : vector<1024x32xf32>
    %get3A_195 = arith.constant 20 : index
    %get3A_196 = arith.constant 0 : index
    %get3A_197 = arith.constant 0 : index
    %get3A_198 = vector.load %arg0[%get3A_195, %get3A_196, %get3A_197] : memref<32x1024x32xf32, #tpu.memory_space<vmem>>, vector<1x1024x32xf32>
    %get3A_199 = vector.shape_cast %get3A_198 : vector<1x1024x32xf32> to vector<1024x32xf32>
    %add3A_200 = arith.addf %add3A_194, %get3A_199 : vector<1024x32xf32>
    %get3A_201 = arith.constant 28 : index
    %get3A_202 = arith.constant 0 : index
    %get3A_203 = arith.constant 0 : index
    %get3A_204 = vector.load %arg0[%get3A_201, %get3A_202, %get3A_203] : memref<32x1024x32xf32, #tpu.memory_space<vmem>>, vector<1x1024x32xf32>
    %get3A_205 = vector.shape_cast %get3A_204 : vector<1x1024x32xf32> to vector<1024x32xf32>
    %add3A_206 = arith.addf %add3A_200, %get3A_205 : vector<1024x32xf32>
    %div3A_207 = vector.broadcast %select_n3A : vector<1024x1xf32> to vector<1024x32xf32>
    %div3A_208 = arith.divf %add3A_206, %div3A_207 : vector<1024x32xf32>
    %get3A_209 = arith.constant 0 : index
    %get3A_210 = arith.constant 128 : index
    %get3A_211 = vector.load %arg2[%get3A_209, %get3A_210] : memref<1024x256xf32, #tpu.memory_space<vmem>>, vector<1024x32xf32>
    %sub3A_212 = arith.subf %div3A_208, %get3A_211 : vector<1024x32xf32>
    %mul3A_213 = arith.mulf %sub3A_212, %sub3A_212 : vector<1024x32xf32>
    %reduce_sum3A_214 = arith.constant dense<0.000000e+00> : vector<1024xf32>
    %reduce_sum3A_215 = vector.multi_reduction <add>, %mul3A_213, %reduce_sum3A_214 [1] : vector<1024x32xf32> to vector<1024xf32>
    %broadcast_in_dim3A_216 = vector.shape_cast %reduce_sum3A_215 : vector<1024xf32> to vector<1024x1xf32>
    %add3A_217 = arith.addf %add3A_183, %broadcast_in_dim3A_216 : vector<1024x1xf32>
    %get3A_218 = arith.constant 5 : index
    %get3A_219 = arith.constant 0 : index
    %get3A_220 = arith.constant 0 : index
    %get3A_221 = vector.load %arg0[%get3A_218, %get3A_219, %get3A_220] : memref<32x1024x32xf32, #tpu.memory_space<vmem>>, vector<1x1024x32xf32>
    %get3A_222 = vector.shape_cast %get3A_221 : vector<1x1024x32xf32> to vector<1024x32xf32>
    %get3A_223 = arith.constant 13 : index
    %get3A_224 = arith.constant 0 : index
    %get3A_225 = arith.constant 0 : index
    %get3A_226 = vector.load %arg0[%get3A_223, %get3A_224, %get3A_225] : memref<32x1024x32xf32, #tpu.memory_space<vmem>>, vector<1x1024x32xf32>
    %get3A_227 = vector.shape_cast %get3A_226 : vector<1x1024x32xf32> to vector<1024x32xf32>
    %add3A_228 = arith.addf %get3A_222, %get3A_227 : vector<1024x32xf32>
    %get3A_229 = arith.constant 21 : index
    %get3A_230 = arith.constant 0 : index
    %get3A_231 = arith.constant 0 : index
    %get3A_232 = vector.load %arg0[%get3A_229, %get3A_230, %get3A_231] : memref<32x1024x32xf32, #tpu.memory_space<vmem>>, vector<1x1024x32xf32>
    %get3A_233 = vector.shape_cast %get3A_232 : vector<1x1024x32xf32> to vector<1024x32xf32>
    %add3A_234 = arith.addf %add3A_228, %get3A_233 : vector<1024x32xf32>
    %get3A_235 = arith.constant 29 : index
    %get3A_236 = arith.constant 0 : index
    %get3A_237 = arith.constant 0 : index
    %get3A_238 = vector.load %arg0[%get3A_235, %get3A_236, %get3A_237] : memref<32x1024x32xf32, #tpu.memory_space<vmem>>, vector<1x1024x32xf32>
    %get3A_239 = vector.shape_cast %get3A_238 : vector<1x1024x32xf32> to vector<1024x32xf32>
    %add3A_240 = arith.addf %add3A_234, %get3A_239 : vector<1024x32xf32>
    %div3A_241 = vector.broadcast %select_n3A : vector<1024x1xf32> to vector<1024x32xf32>
    %div3A_242 = arith.divf %add3A_240, %div3A_241 : vector<1024x32xf32>
    %get3A_243 = arith.constant 0 : index
    %get3A_244 = arith.constant 160 : index
    %get3A_245 = vector.load %arg2[%get3A_243, %get3A_244] : memref<1024x256xf32, #tpu.memory_space<vmem>>, vector<1024x32xf32>
    %sub3A_246 = arith.subf %div3A_242, %get3A_245 : vector<1024x32xf32>
    %mul3A_247 = arith.mulf %sub3A_246, %sub3A_246 : vector<1024x32xf32>
    %reduce_sum3A_248 = arith.constant dense<0.000000e+00> : vector<1024xf32>
    %reduce_sum3A_249 = vector.multi_reduction <add>, %mul3A_247, %reduce_sum3A_248 [1] : vector<1024x32xf32> to vector<1024xf32>
    %broadcast_in_dim3A_250 = vector.shape_cast %reduce_sum3A_249 : vector<1024xf32> to vector<1024x1xf32>
    %add3A_251 = arith.addf %add3A_217, %broadcast_in_dim3A_250 : vector<1024x1xf32>
    %get3A_252 = arith.constant 6 : index
    %get3A_253 = arith.constant 0 : index
    %get3A_254 = arith.constant 0 : index
    %get3A_255 = vector.load %arg0[%get3A_252, %get3A_253, %get3A_254] : memref<32x1024x32xf32, #tpu.memory_space<vmem>>, vector<1x1024x32xf32>
    %get3A_256 = vector.shape_cast %get3A_255 : vector<1x1024x32xf32> to vector<1024x32xf32>
    %get3A_257 = arith.constant 14 : index
    %get3A_258 = arith.constant 0 : index
    %get3A_259 = arith.constant 0 : index
    %get3A_260 = vector.load %arg0[%get3A_257, %get3A_258, %get3A_259] : memref<32x1024x32xf32, #tpu.memory_space<vmem>>, vector<1x1024x32xf32>
    %get3A_261 = vector.shape_cast %get3A_260 : vector<1x1024x32xf32> to vector<1024x32xf32>
    %add3A_262 = arith.addf %get3A_256, %get3A_261 : vector<1024x32xf32>
    %get3A_263 = arith.constant 22 : index
    %get3A_264 = arith.constant 0 : index
    %get3A_265 = arith.constant 0 : index
    %get3A_266 = vector.load %arg0[%get3A_263, %get3A_264, %get3A_265] : memref<32x1024x32xf32, #tpu.memory_space<vmem>>, vector<1x1024x32xf32>
    %get3A_267 = vector.shape_cast %get3A_266 : vector<1x1024x32xf32> to vector<1024x32xf32>
    %add3A_268 = arith.addf %add3A_262, %get3A_267 : vector<1024x32xf32>
    %get3A_269 = arith.constant 30 : index
    %get3A_270 = arith.constant 0 : index
    %get3A_271 = arith.constant 0 : index
    %get3A_272 = vector.load %arg0[%get3A_269, %get3A_270, %get3A_271] : memref<32x1024x32xf32, #tpu.memory_space<vmem>>, vector<1x1024x32xf32>
    %get3A_273 = vector.shape_cast %get3A_272 : vector<1x1024x32xf32> to vector<1024x32xf32>
    %add3A_274 = arith.addf %add3A_268, %get3A_273 : vector<1024x32xf32>
    %div3A_275 = vector.broadcast %select_n3A : vector<1024x1xf32> to vector<1024x32xf32>
    %div3A_276 = arith.divf %add3A_274, %div3A_275 : vector<1024x32xf32>
    %get3A_277 = arith.constant 0 : index
    %get3A_278 = arith.constant 192 : index
    %get3A_279 = vector.load %arg2[%get3A_277, %get3A_278] : memref<1024x256xf32, #tpu.memory_space<vmem>>, vector<1024x32xf32>
    %sub3A_280 = arith.subf %div3A_276, %get3A_279 : vector<1024x32xf32>
    %mul3A_281 = arith.mulf %sub3A_280, %sub3A_280 : vector<1024x32xf32>
    %reduce_sum3A_282 = arith.constant dense<0.000000e+00> : vector<1024xf32>
    %reduce_sum3A_283 = vector.multi_reduction <add>, %mul3A_281, %reduce_sum3A_282 [1] : vector<1024x32xf32> to vector<1024xf32>
    %broadcast_in_dim3A_284 = vector.shape_cast %reduce_sum3A_283 : vector<1024xf32> to vector<1024x1xf32>
    %add3A_285 = arith.addf %add3A_251, %broadcast_in_dim3A_284 : vector<1024x1xf32>
    %get3A_286 = arith.constant 7 : index
    %get3A_287 = arith.constant 0 : index
    %get3A_288 = arith.constant 0 : index
    %get3A_289 = vector.load %arg0[%get3A_286, %get3A_287, %get3A_288] : memref<32x1024x32xf32, #tpu.memory_space<vmem>>, vector<1x1024x32xf32>
    %get3A_290 = vector.shape_cast %get3A_289 : vector<1x1024x32xf32> to vector<1024x32xf32>
    %get3A_291 = arith.constant 15 : index
    %get3A_292 = arith.constant 0 : index
    %get3A_293 = arith.constant 0 : index
    %get3A_294 = vector.load %arg0[%get3A_291, %get3A_292, %get3A_293] : memref<32x1024x32xf32, #tpu.memory_space<vmem>>, vector<1x1024x32xf32>
    %get3A_295 = vector.shape_cast %get3A_294 : vector<1x1024x32xf32> to vector<1024x32xf32>
    %add3A_296 = arith.addf %get3A_290, %get3A_295 : vector<1024x32xf32>
    %get3A_297 = arith.constant 23 : index
    %get3A_298 = arith.constant 0 : index
    %get3A_299 = arith.constant 0 : index
    %get3A_300 = vector.load %arg0[%get3A_297, %get3A_298, %get3A_299] : memref<32x1024x32xf32, #tpu.memory_space<vmem>>, vector<1x1024x32xf32>
    %get3A_301 = vector.shape_cast %get3A_300 : vector<1x1024x32xf32> to vector<1024x32xf32>
    %add3A_302 = arith.addf %add3A_296, %get3A_301 : vector<1024x32xf32>
    %get3A_303 = arith.constant 31 : index
    %get3A_304 = arith.constant 0 : index
    %get3A_305 = arith.constant 0 : index
    %get3A_306 = vector.load %arg0[%get3A_303, %get3A_304, %get3A_305] : memref<32x1024x32xf32, #tpu.memory_space<vmem>>, vector<1x1024x32xf32>
    %get3A_307 = vector.shape_cast %get3A_306 : vector<1x1024x32xf32> to vector<1024x32xf32>
    %add3A_308 = arith.addf %add3A_302, %get3A_307 : vector<1024x32xf32>
    %div3A_309 = vector.broadcast %select_n3A : vector<1024x1xf32> to vector<1024x32xf32>
    %div3A_310 = arith.divf %add3A_308, %div3A_309 : vector<1024x32xf32>
    %get3A_311 = arith.constant 0 : index
    %get3A_312 = arith.constant 224 : index
    %get3A_313 = vector.load %arg2[%get3A_311, %get3A_312] : memref<1024x256xf32, #tpu.memory_space<vmem>>, vector<1024x32xf32>
    %sub3A_314 = arith.subf %div3A_310, %get3A_313 : vector<1024x32xf32>
    %mul3A_315 = arith.mulf %sub3A_314, %sub3A_314 : vector<1024x32xf32>
    %reduce_sum3A_316 = arith.constant dense<0.000000e+00> : vector<1024xf32>
    %reduce_sum3A_317 = vector.multi_reduction <add>, %mul3A_315, %reduce_sum3A_316 [1] : vector<1024x32xf32> to vector<1024xf32>
    %broadcast_in_dim3A_318 = vector.shape_cast %reduce_sum3A_317 : vector<1024xf32> to vector<1024x1xf32>
    %add3A_319 = arith.addf %add3A_285, %broadcast_in_dim3A_318 : vector<1024x1xf32>
    %jit3A_320 = arith.constant 0.000000e+00 : f32
    %broadcast_in_dim3A_321 = vector.broadcast %jit3A_320 : f32 to vector<1024x1xf32>
    %select_n3A_322 = arith.select %gt3A_45, %add3A_319, %broadcast_in_dim3A_321 : vector<1024x1xi1>, vector<1024x1xf32>
    %reduce_sum3A_323 = vector.shape_cast %select_n3A_322 : vector<1024x1xf32> to vector<1x1024x1xf32>
    %reduce_sum3A_324 = arith.constant dense<0.000000e+00> : vector<1xf32>
    %reduce_sum3A_325 = vector.multi_reduction <add>, %reduce_sum3A_323, %reduce_sum3A_324 [1, 2] : vector<1x1024x1xf32> to vector<1xf32>
    %reduce_sum3A_326 = vector.shape_cast %reduce_sum3A_325 : vector<1xf32> to vector<1x1x1xf32>
    %reduce_sum3A_327 = vector.extract %reduce_sum3A_326[0, 0, 0] : f32 from vector<1x1x1xf32>
    %convert_element_type3A = arith.extui %gt3A_45 : vector<1024x1xi1> to vector<1024x1xi32>
    %convert_element_type3A_328 = arith.sitofp %convert_element_type3A : vector<1024x1xi32> to vector<1024x1xf32>
    %reduce_sum3A_329 = vector.shape_cast %convert_element_type3A_328 : vector<1024x1xf32> to vector<1x1024x1xf32>
    %reduce_sum3A_330 = arith.constant dense<0.000000e+00> : vector<1xf32>
    %reduce_sum3A_331 = vector.multi_reduction <add>, %reduce_sum3A_329, %reduce_sum3A_330 [1, 2] : vector<1x1024x1xf32> to vector<1xf32>
    %reduce_sum3A_332 = vector.shape_cast %reduce_sum3A_331 : vector<1xf32> to vector<1x1x1xf32>
    %reduce_sum3A_333 = vector.extract %reduce_sum3A_332[0, 0, 0] : f32 from vector<1x1x1xf32>
    %div3A_334 = arith.divf %reduce_sum3A_327, %reduce_sum3A_333 : f32
    %swap3A = arith.constant 0 : index
    %swap3A_335 = arith.constant 0 : index
    %swap3A_336 = memref.load %arg4[%swap3A, %swap3A_335] : memref<1x1xf32, #tpu.memory_space<smem>>
    memref.store %div3A_334, %arg4[%swap3A, %swap3A_335] : memref<1x1xf32, #tpu.memory_space<smem>>
    %mul3A_337 = arith.mulf %get3A_1, %sub3A_43 : vector<1024x1xf32>
    %reduce_sum3A_338 = vector.shape_cast %mul3A_337 : vector<1024x1xf32> to vector<1x1024x1xf32>
    %reduce_sum3A_339 = arith.constant dense<0.000000e+00> : vector<1xf32>
    %reduce_sum3A_340 = vector.multi_reduction <add>, %reduce_sum3A_338, %reduce_sum3A_339 [1, 2] : vector<1x1024x1xf32> to vector<1xf32>
    %reduce_sum3A_341 = vector.shape_cast %reduce_sum3A_340 : vector<1xf32> to vector<1x1x1xf32>
    %reduce_sum3A_342 = vector.extract %reduce_sum3A_341[0, 0, 0] : f32 from vector<1x1x1xf32>
    %div3A_343 = arith.constant 8.192000e+03 : f32
    %div3A_344 = arith.divf %reduce_sum3A_342, %div3A_343 : f32
    %swap3A_345 = arith.constant 0 : index
    %swap3A_346 = arith.constant 0 : index
    %swap3A_347 = memref.load %arg5[%swap3A_345, %swap3A_346] : memref<1x1xf32, #tpu.memory_space<smem>>
    memref.store %div3A_344, %arg5[%swap3A_345, %swap3A_346] : memref<1x1xf32, #tpu.memory_space<smem>>
    %div3A_348 = arith.constant 1.000000e+00 : f32
    %div3A_349 = arith.divf %div3A_348, %sub3A : f32
    %swap3A_350 = arith.constant 0 : index
    %swap3A_351 = arith.constant 0 : index
    %swap3A_352 = memref.load %arg6[%swap3A_350, %swap3A_351] : memref<1x1xf32, #tpu.memory_space<smem>>
    memref.store %div3A_349, %arg6[%swap3A_350, %swap3A_351] : memref<1x1xf32, #tpu.memory_space<smem>>
    return
  }
}

</mosaic_0001>

<sc_bundles>
// kernel: kernel.5.cloned.1.call-start
scs
__scs_entry_jumppad:
0x0: {  	(pc) =	sbr.rel $0x88, $3  }
0x1: {  	(tag) =	ssettag $0x0;
	lr =	simm.s32 $0x1  }
0x2: {  	[smem:$0x3F9F] =	sst lr;
	_ =	strace $0xD0000000  }
0x3: {  	_ = 	snop  }
0x4: {  	_ = 	snop  }
0x5: {  	_ = 	snop  }
0x6: {  	_ = 	snop  }
0x7: {  	_ = 	snop  }
__scs_overlays_trampoline_lowered:
0x8: {  	[smem:$0x3FAE] =	sst s0  }
0x9: {  	[smem:$0x3FAF] =	sst s1  }
0xa: {  	[smem:$0x3FB0] =	sst s2  }
0xb: {  	[smem:$0x3FB1] =	sst s3  }
0xc: {  	[smem:$0x3FB2] =	sst s4  }
0xd: {  	[smem:$0x3FB3] =	sst s5  }
0xe: {  	[smem:$0x3FB4] =	sst s6  }
0xf: {  	[smem:$0x3FB5] =	sst s7  }
0x10: {  	[smem:$0x3FB6] =	sst s8  }
0x11: {  	[smem:$0x3FB7] =	sst s9;
	s0 =	simm.s32 @!p0 $0x0  }
0x12: {  	s1 =	sld [smem:$0x3F9D];
	s0 =	simm.s32 @p0 $0x1  }
0x13: {  	[smem:$0x3FB8] =	sst s0;
	s0 =	simm.s32 @!p1 $0x0  }
0x14: {  	s2 =	sld [smem:$0x3F9C];
	s0 =	simm.s32 @p1 $0x1  }
0x15: {  	[smem:$0x3FB9] =	sst s0;
	s0 =	simm.s32 @!p2 $0x0  }
0x16: {  	s3 =	sld [smem:$0x3FDB];
	s0 =	simm.s32 @p2 $0x1  }
0x17: {  	s4 =	simm.s32 $0x1BF5;
	[smem:$0x3FBB] =	sst s0  }
0x18: {  	s0 =	sld [smem:$0x3F9E];
	_ =	swait.ge [sflag:s4], $0x0  }
0x19: {  	s7 =	sld [smem:$0x3F9F]  }
0x1a: {  	s8 =	sadd.s32 $0xFFFFE003, lr  }
0x1b: {  	s9 =	sadd.s32 $0xFFFFFEF7, lr;
	s5 =	simm.s32 $0xFFFFFFFF;
	p2 =	slt.u32 s8, $0xFFFFF086  }
0x1c: {  	p1 =	slt.u32 s9, $0xF7A;
	s5 =	simm.s32 @!p2 $0x0  }
0x1d: {  	s5 =	simm.s32 @p1 $0x1;
	p0 =	seq.s32 s7, s2  }
0x1e: {  	s7 =	smul.u32 @!p0 $0xF7A, s2;
	p2 =	seq.s32 @!p0 s5, $0x0  }
0x1f: {  	s9 =	smul.u32 $0xF7A, s1;
	s8 =	simm.s32 @!p0 $0x1BF5;
	p2 =	por !p2, p0  }
0x20: {  	[sflag:s8] =	ssyncset.s32 @!p0 $0xFFFFF086;
	s6 =	sadd.s32 @!p0 s3, s7;
	s7 =	simm.s32 @!p0 $0x108  }
0x21: {  	s3 =	sadd.s32 s3, s9;
	s6 =	sadd.s32 @!p0 $0x88, s6;
	s7 =	simm.s32 @p2 $0x1082  }
0x22: {  	[simem:s7], [sflag:s8] =	dma.local @!p0 [hbm:s6], $0xF7A  }
0x23: {  	s9 =	sor.u32 $0xD0000000, s2;
	s6 =	simm.s32 $0x108;
	_ =	swait.ge @!p0 [sflag:s8], $0x0  }
0x24: {  	s3 =	sadd.s32 $0x88, s3;
	s6 =	simm.s32 @!p1 $0x1082;
	[sflag:s4] =	ssyncset.s32 $0xFFFFF086  }
0x25: {  	[simem:s6], [sflag:s4] =	dma.local [hbm:s3], $0xF7A  }
0x26: {  	[smem:$0x3F9F] =	sst s1;
	(tag) =	ssettag s2;
	_ =	strace s9  }
0x27: {  	s1 =	sld [smem:$0x3FAF]  }
0x28: {  	s2 =	sld [smem:$0x3FB0]  }
0x29: {  	s4 =	sld [smem:$0x3FB2]  }
0x2a: {  	p0 =	seq.s32 s5, $0x0;
	s5 =	sld [smem:$0x3FB3]  }
0x2b: {  	s6 =	sld [smem:$0x3FB4]  }
0x2c: {  	s7 =	sld [smem:$0x3FB5]  }
0x2d: {  	s3 =	simm.s32 $0x108;
	s8 =	sld [smem:$0x3FB6]  }
0x2e: {  	s3 =	simm.s32 @!p0 $0x1082;
	s9 =	sld [smem:$0x3FB7]  }
0x2f: {  	lr =	sadd.s32 s0, s3;
	s0 =	sld [smem:$0x3FAE]  }
0x30: {  	s3 =	sld [smem:$0x3FB1]  }
0x31: {  	[smem:$0x3FBA] =	sst s10  }
0x32: {  	s10 =	sld [smem:$0x3FB8];
	_ =	sdelay $0x3  }
0x33: {  	p0 =	seq.s32 s10, $0x1;
	s10 =	sld [smem:$0x3FBA];
	_ =	sdelay $0x3  }
0x34: {  	[smem:$0x3FBA] =	sst s10  }
0x35: {  	s10 =	sld [smem:$0x3FB9];
	_ =	sdelay $0x3  }
0x36: {  	p1 =	seq.s32 s10, $0x1;
	s10 =	sld [smem:$0x3FBA];
	_ =	sdelay $0x3  }
0x37: {  	[smem:$0x3FBA] =	sst s10  }
0x38: {  	s10 =	sld [smem:$0x3FBB]  }
0x39: {  	_ = 	snop;
	(pc) =	sbr.ind lr, $3  }
0x3a: {  	_ = 	snop  }
0x3b: {  	_ = 	snop  }
0x3c: {  	p2 =	seq.s32 s10, $0x1;
	s10 =	sld [smem:$0x3FBA]  }
0x3d: {  	_ =	shalt  }
0x3e: {  	_ =	shalt  }
0x3f: {  	_ =	shalt  }
0x40: {  	_ =	shalt  }
0x41: {  	_ =	shalt  }
0x42: {  	_ =	shalt  }
0x43: {  	_ =	shalt  }
0x44: {  	_ =	shalt  }
0x45: {  	_ =	shalt  }
0x46: {  	_ =	shalt  }
0x47: {  	_ =	shalt  }
0x48: {  	_ =	shalt  }
0x49: {  	_ =	shalt  }
0x4a: {  	_ =	shalt  }
0x4b: {  	_ =	shalt  }
0x4c: {  	_ =	shalt  }
0x4d: {  	_ =	shalt  }
0x4e: {  	_ =	shalt  }
0x4f: {  	_ =	shalt  }
0x50: {  	_ =	shalt  }
0x51: {  	_ =	shalt  }
0x52: {  	_ =	shalt  }
0x53: {  	_ =	shalt  }
0x54: {  	_ =	shalt  }
0x55: {  	_ =	shalt  }
0x56: {  	_ =	shalt  }
0x57: {  	_ =	shalt  }
0x58: {  	_ =	shalt  }
0x59: {  	_ =	shalt  }
0x5a: {  	_ =	shalt  }
0x5b: {  	_ =	shalt  }
0x5c: {  	_ =	shalt  }
0x5d: {  	_ =	shalt  }
0x5e: {  	_ =	shalt  }
0x5f: {  	_ =	shalt  }
0x60: {  	_ =	shalt  }
0x61: {  	_ =	shalt  }
0x62: {  	_ =	shalt  }
0x63: {  	_ =	shalt  }
0x64: {  	_ =	shalt  }
0x65: {  	_ =	shalt  }
0x66: {  	_ =	shalt  }
0x67: {  	_ =	shalt  }
0x68: {  	_ =	shalt  }
0x69: {  	_ =	shalt  }
0x6a: {  	_ =	shalt  }
0x6b: {  	_ =	shalt  }
0x6c: {  	_ =	shalt  }
0x6d: {  	_ =	shalt  }
0x6e: {  	_ =	shalt  }
0x6f: {  	_ =	shalt  }
0x70: {  	_ =	shalt  }
0x71: {  	_ =	shalt  }
0x72: {  	_ =	shalt  }
0x73: {  	_ =	shalt  }
0x74: {  	_ =	shalt  }
0x75: {  	_ =	shalt  }
0x76: {  	_ =	shalt  }
0x77: {  	_ =	shalt  }
0x78: {  	_ =	shalt  }
0x79: {  	_ =	shalt  }
0x7a: {  	_ =	shalt  }
0x7b: {  	_ =	shalt  }
0x7c: {  	_ =	shalt  }
0x7d: {  	_ =	shalt  }
0x7e: {  	_ =	shalt  }
0x7f: {  	_ =	shalt  }
0x80: {  	_ =	shalt  }
0x81: {  	_ =	shalt  }
0x82: {  	_ =	shalt  }
0x83: {  	_ =	shalt  }
0x84: {  	_ =	shalt  }
0x85: {  	_ =	shalt  }
0x86: {  	_ =	shalt  }
0x87: {  	_ =	shalt  }
.Lfunc_end0:
.L_simem_size_0:
called_computation_lowered:
.L_overlay_start_0:
0x88: {  	s2 =	sld [smem:$0x3FD9]  }
0x89: {  	s3 =	sld [smem:$0x3FFE];
	_ =	sdelay $0x1  }
0x8a: {  	s1 =	srdreg.scid  }
0x8b: {  	s0 =	sand.u32 $0x1, s1  }
0x8c: {  	s16 =	sshll.u32 s0, $0xA;
	s2 =	sadd.s32 s3, s2  }
0x8d: {  	s2 =	sadd.s32 s2, s16  }
0x8e: {  	[smem:$0x3FC6] =	sst s2  }
0x8f: {  	_ = 	snop  }
0x90: {  	(tm) =	ssettm $0x1  }
0x91: {  	s17 =	sld [smem:$0x3FFB];
	_ =	sdelay $0x3  }
0x92: {  	_ =	strace s17  }
0x93: {  	s2 =	sld [smem:$0x3FFC];
	_ =	sdelay $0x3  }
0x94: {  	_ =	strace s2  }
0x95: {  	s2 =	sld [smem:$0x3FFD];
	_ =	sdelay $0x3  }
0x96: {  	_ =	strace s2  }
0x97: {  	_ =	strace $0x8FFFFFFF  }
0x98: {  	s18 =	sld [smem:$0x3FDB];
	_ =	sdelay $0x1  }
0x99: {  	s19 =	simm.s32 $_scs_section_size  }
0x9a: {  	s4 =	simm.s32 $_size__tile_overlayer_lowered;
	s5 =	simm.s32 $_tile_overlayer_lowered  }
0x9b: {  	s22 =	simm.s32 $0x1BFF;
	s21 =	sshll.u32 s5, $0x1;
	s2 =	sadd.s32 s19, s18  }
0x9c: {  	s6 =	simm.s32 $0x0;
	s20 =	sshll.u32 s4, $0x1;
	s4 =	sadd.s32 s21, s2  }
0x9d: {  	[timem:s6], [sflag:s22] =	dma.local [hbm:s4], s20  }
0x9e: {  	_ =	swait.ge [sflag:s22], s20  }
0x9f: {  	s3 =	ssub.s32 $0x0, s20;
	[sflag:s22] =	ssyncset.done $0x0  }
0xa0: {  	[sflag:s22] =	ssyncadd.s32 s3;
	_ =	sdelay $0x1  }
0xa1: {  	s23 =	simm.s32 $0x1B8B  }
0xa2: {  	_ =	swait.ge [sflag:s23], $0x1  }
0xa3: {  	[sflag:s23] =	ssyncset.done $0x0  }
0xa4: {  	s25 =	simm.s32 $0x1B8E;
	s24 =	sld [smem:$0x3FFE];
	[sflag:s23] =	ssyncadd.s32 $0xFFFFFFFF  }
0xa5: {  	s26 =	simm.s32 $execute0_lowered;
	[smem:$0x3FD2] =	sst s25  }
0xa6: {  	s4 =	sshll.u32 s26, $0x1;
	_ =	strace $0x80000046;
	[dreg:$0x1] =	wrdreg $0xFFFFFFFF  }
0xa7: {  	s28 =	simm.s32 $_size_execute0_lowered;
	s2 =	sadd.s32 s2, s4;
	[dreg:$0x0] =	wrdreg $0x0  }
0xa8: {  	s4 =	sshll.u32 s28, $0x1;
	[dreg:$0x2] =	wrdreg s2  }
0xa9: {  	[dreg:$0x3] =	wrdreg s4  }
0xaa: {  	[dreg:$0x4] =	wrdreg $0xC0  }
0xab: {  	_ =	task [dreg:s6], $0x5FFFF  }
0xac: {  	[dreg:$0x1] =	wrdreg $0xFFFFFFFF  }
0xad: {  	[dreg:$0x0] =	wrdreg $0x60  }
0xae: {  	[dreg:$0x2] =	wrdreg s24  }
0xaf: {  	[dreg:$0x3] =	wrdreg $0x9  }
0xb0: {  	_ =	task.clear_ibuf [dreg:s6], $0x4FFFF;
	_ =	strace $0x90000046  }
0xb1: {  	s29 =	simm.s32 $0x9;
	_ =	strace $0x80000048  }
0xb2: {  	_ =	swait.ge [sflag:s29], $0x1  }
0xb3: {  	[sflag:s29] =	ssyncadd.s32 $0xFFFFFFFF  }
0xb4: {  	_ =	strace $0x90000048  }
0xb5: {  	_ =	sfence  }
0xb6: {  	s30 =	sld [smem:$0x0];
	_ =	sdelay $0x2  }
0xb7: {  	s31 =	sshll.u32 s1, $0xD;
	s1 =	sshrl.u32 s1, $0x2  }
0xb8: {  	s3 =	sand.u32 $0x4000, s31;
	s1 =	sadd.s32 s1, s30  }
0xb9: {  	s0 =	sor.u32 s3, s0;
	s1 =	sshll.u32 s1, $0x11  }
0xba: {  	s0 =	sor.u32 s1, s0  }
0xbb: {  	s0 =	sadd.s32 $0x8F2B, s0  }
0xbc: {  	[sflag:s0] =	ssyncadd.remote.s32 $0x1  }
0xbd: {  	_ =	sfence.sel $0xFFFF  }
0xbe: {  	[dreg:$0x0] =	wrdreg $0xFFFFFFFF;
	(pc) =	sbr.abs _section_cstart, $3  }
0xbf: {  	[dreg:$0x1] =	wrdreg $0xFFFFFFFF  }
0xc0: {  	_ =	task.clear_ibuf [dreg:s6], $0x2FFFF;
	_ =	strace $0x9FFFFFFF  }
0xc1: {  	(tm) =	ssettm $0x7FFFFFFF  }
tec
execute0_lowered:
.L_overlay_start_1:
0x0: {  	(tag) =	ssettag $0x1  }
0x1: {  	s0 =	srdreg.scid  }
0x2: {  	s2 =	stileid.u32;
	s4 =	simm.s32 $0x1;
	s0 =	sand.u32 $0x1, s0  }
0x3: {  	s5 =	rddreg [dreg:$0x0];
	s13 =	simm.s32 $0x0;
	s1 =	sshll.u32 s0, $0x4  }
0x4: {  	s3 =	sand.u32 $0x7, s2;
	s8 =	sadd.s32 $0x40C00, s5;
	s1 =	sor.u32 s2, s1  }
0x5: {  	p1 =	sne.s32 s3, $0x0;
	s3 =	sshll.u32 s3, $0x5;
	p0 =	seq.s32 s1, $0x0  }
0x6: {  	s0 =	ssub.s32 $0x2, s0;
	s2 =	simm.s32 $0x0;
	p0 =	por !p1, !p0  }
0x7: {  	s7 =	sshrl.u32 s0, $0x1;
	s6 =	sshrl.u32 s1, $0x3;
	p0 =	por !p0, !p0  }
0x8: {  	[smem:$0x7FF] =	sst s2;
	s1 =	sshll.u32 s1, $0xC;
	s4 =	simm.s32 @!p0 $0x0  }
0x9: {  	s0 =	ssub.s32 s0, s7;
	_ =	strace $0x80000047;
	s4 =	ssub.s32 s6, s4  }
0xa: {  	[dreg:$0x2] =	wrdreg s8;
	s6 =	sshll.u32 s4, $0x13;
	s4 =	sshll.u32 s4, $0x8  }
0xb: {  	s1 =	sadd.s32 s1, s5;
	s6 =	sor.u32 s3, s6;
	s4 =	sand.u32 $0x1FFFFF00, s4  }
0xc: {  	s1 =	sadd.s32 $0x41C00, s1;
	s6 =	sshrl.u32 s6, $0x3;
	s4 =	sadd.s32 s4, s5  }
0xd: {  	[dreg:$0x5] =	wrdreg s1;
	s6 =	sadd.s32 s6, s5;
	s4 =	sadd.s32 $0x40800, s4  }
0xe: {  	s8 =	smax.u32 s0, $0x1;
	s31 =	sadd.s32 $0x800, s6;
	[dreg:$0x4] =	wrdreg s4  }
0xf: {  	s3 =	simm.s32 $0x1;
	s5 =	simm.s32 $0x10800;
	[dreg:$0x3] =	wrdreg s31  }
.LBB2_1:
0x10: {  	s0 =	rddreg [dreg:$0x3];
	s1 =	simm.s32 $0x20;
	s4 =	simm.s32 $0x100  }
0x11: {  	[tilespmem:s2], [sflag:$0x1] =	stream.strided.gather [hbm4b:s0+s1], $0x10000, s4, s1, $0x38;
	[tilespmem:$0x18800] =	vst v63  }
0x12: {  	_ =	swait.ge [sflag:s3], $0x10000  }
0x13: {  	[sflag:s3] =	ssyncset.done $0x0  }
0x14: {  	s19 =	simm.s32 $0x10000;
	s18 =	rddreg [dreg:$0x4];
	[sflag:s3] =	ssyncadd.s32 $0xFFFF0000  }
0x15: {  	[tilespmem:s19], [sflag:$0x1] =	stream.linear.gather [hbm4b:s18+s2], $0x800, $0x38;
	[tilespmem:$0x18800] =	vst v63  }
0x16: {  	_ =	swait.ge [sflag:s3], $0x800  }
0x17: {  	[sflag:s3] =	ssyncset.done $0x0  }
0x18: {  	s20 =	rddreg [dreg:$0x2];
	[sflag:s3] =	ssyncadd.s32 $0xFFFFF800  }
0x19: {  	[tilespmem:s5], [sflag:$0x1] =	stream.linear.gather [hbm4b:s20+s2], $0x8000, $0x38;
	[tilespmem:$0x18800] =	vst v63  }
0x1a: {  	_ =	swait.ge [sflag:s3], $0x8000  }
0x1b: {  	[sflag:s3] =	ssyncset.done $0x0  }
0x1c: {  	s21 =	simm.s32 $0x10010;
	[sflag:s3] =	ssyncadd.s32 $0xFFFF8000  }
0x1d: {  	v0 =	vld [tilespmem:s21+$0x0];
	_ =	sdelay $0x3  }
0x1e: {  	v2 =	vld [tilespmem:s21+$0xFFFFFFF0]  }
0x1f: {  	v0 =	vshll.u32 v0, $0x7  }
0x20: {  	v1 =	vshra.s32 v0, $0x2  }
0x21: {  	(v2sf) =	vpush v1, $0x0;
	_ =	sdelay $0x1  }
0x22: {  	v0 =	vshll.u32 v2, $0x7  }
0x23: {  	v0 =	vshra.s32 v0, $0x2  }
0x24: {  	(v2sf) =	vpush v0, $0x0  }
0x25: {  	(v2sf) =	vpush v0, $0x1  }
0x26: {  	(v2sf) =	vpush v0, $0x2  }
0x27: {  	(v2sf) =	vpush v0, $0x3  }
0x28: {  	(v2sf) =	vpush v0, $0x4  }
0x29: {  	(v2sf) =	vpush v0, $0x5  }
0x2a: {  	s14 =	simm.s32 $0x200;
	(v2sf) =	vpush v0, $0x6  }
0x2b: {  	v2 =	vld [tilespmem:s14+$0x0];
	(v2sf) =	vpush v0, $0x7  }
0x2c: {  	(v2sf) =	vpush v0, $0x8  }
0x2d: {  	(v2sf) =	vpush v1, $0x1;
	_ =	sdelay $0x1  }
0x2e: {  	s22 =	spop (v2sf)  }
0x2f: {  	[tilespmem:s22+$0x10800] =	vst.add.f32.msk $0xffff, v2  }
0x30: {  	v2 =	vld [tilespmem:s14+$0x10]  }
0x31: {  	(v2sf) =	vpush v0, $0x9  }
0x32: {  	(v2sf) =	vpush v0, $0xA;
	s12 =	spop (v2sf)  }
0x33: {  	(v2sf) =	vpush v0, $0xB;
	s17 =	spop (v2sf)  }
0x34: {  	(v2sf) =	vpush v0, $0xC;
	s18 =	spop (v2sf)  }
0x35: {  	(v2sf) =	vpush v0, $0xD;
	s19 =	spop (v2sf);
	[tilespmem:s22+$0x10810] =	vst.add.f32.msk $0xffff, v2  }
0x36: {  	(v2sf) =	vpush v0, $0xE;
	s11 =	spop (v2sf);
	v2 =	vld [tilespmem:s14+$0xFFFFFE00]  }
0x37: {  	(v2sf) =	vpush v0, $0xF;
	s10 =	spop (v2sf);
	v0 =	vld [tilespmem:s14+$0x20]  }
0x38: {  	s23 =	spop (v2sf)  }
0x39: {  	s9 =	spop (v2sf)  }
0x3a: {  	(v2sf) =	vpush v1, $0x2;
	s24 =	spop (v2sf)  }
0x3b: {  	s15 =	spop (v2sf);
	[tilespmem:s12+$0x10800] =	vst.add.f32.msk $0xffff, v2  }
0x3c: {  	[tilespmem:s15+$0x10800] =	vst.add.f32.msk $0xffff, v0  }
0x3d: {  	v2 =	vld [tilespmem:s14+$0xFFFFFE10]  }
0x3e: {  	v0 =	vld [tilespmem:s14+$0x30];
	_ =	sdelay $0x3  }
0x3f: {  	s30 =	spop (v2sf);
	[tilespmem:s12+$0x10810] =	vst.add.f32.msk $0xffff, v2  }
0x40: {  	s29 =	spop (v2sf);
	[tilespmem:s15+$0x10810] =	vst.add.f32.msk $0xffff, v0  }
0x41: {  	s28 =	spop (v2sf);
	v2 =	vld [tilespmem:s14+$0xFFFFFE20]  }
0x42: {  	s26 =	spop (v2sf);
	v0 =	vld [tilespmem:s14+$0x40]  }
0x43: {  	s25 =	spop (v2sf)  }
0x44: {  	s16 =	spop (v2sf)  }
0x45: {  	(v2sf) =	vpush v1, $0x3;
	s15 =	spop (v2sf)  }
0x46: {  	s31 =	spop (v2sf);
	[tilespmem:s17+$0x10800] =	vst.add.f32.msk $0xffff, v2  }
0x47: {  	[tilespmem:s31+$0x10800] =	vst.add.f32.msk $0xffff, v0  }
0x48: {  	v2 =	vld [tilespmem:s14+$0xFFFFFE30]  }
0x49: {  	v0 =	vld [tilespmem:s14+$0x50];
	_ =	sdelay $0x3  }
0x4a: {  	[tilespmem:s17+$0x10810] =	vst.add.f32.msk $0xffff, v2  }
0x4b: {  	[tilespmem:s31+$0x10810] =	vst.add.f32.msk $0xffff, v0  }
0x4c: {  	v2 =	vld [tilespmem:s14+$0xFFFFFE40]  }
0x4d: {  	v0 =	vld [tilespmem:s14+$0x60];
	_ =	sdelay $0x2  }
0x4e: {  	(v2sf) =	vpush v1, $0x4  }
0x4f: {  	s5 =	spop (v2sf);
	[tilespmem:s18+$0x10800] =	vst.add.f32.msk $0xffff, v2  }
0x50: {  	[tilespmem:s5+$0x10800] =	vst.add.f32.msk $0xffff, v0  }
0x51: {  	v2 =	vld [tilespmem:s14+$0xFFFFFE50]  }
0x52: {  	v0 =	vld [tilespmem:s14+$0x70];
	_ =	sdelay $0x3  }
0x53: {  	[tilespmem:s18+$0x10810] =	vst.add.f32.msk $0xffff, v2  }
0x54: {  	[tilespmem:s5+$0x10810] =	vst.add.f32.msk $0xffff, v0  }
0x55: {  	v2 =	vld [tilespmem:s14+$0xFFFFFE60]  }
0x56: {  	v0 =	vld [tilespmem:s14+$0x80];
	_ =	sdelay $0x2  }
0x57: {  	(v2sf) =	vpush v1, $0x5  }
0x58: {  	s6 =	spop (v2sf);
	[tilespmem:s19+$0x10800] =	vst.add.f32.msk $0xffff, v2  }
0x59: {  	[tilespmem:s6+$0x10800] =	vst.add.f32.msk $0xffff, v0  }
0x5a: {  	v2 =	vld [tilespmem:s14+$0xFFFFFE70]  }
0x5b: {  	v0 =	vld [tilespmem:s14+$0x90];
	_ =	sdelay $0x3  }
0x5c: {  	[tilespmem:s19+$0x10810] =	vst.add.f32.msk $0xffff, v2  }
0x5d: {  	[tilespmem:s6+$0x10810] =	vst.add.f32.msk $0xffff, v0  }
0x5e: {  	v2 =	vld [tilespmem:s14+$0xFFFFFE80]  }
0x5f: {  	v0 =	vld [tilespmem:s14+$0xA0];
	_ =	sdelay $0x2  }
0x60: {  	(v2sf) =	vpush v1, $0x6  }
0x61: {  	s7 =	spop (v2sf);
	[tilespmem:s11+$0x10800] =	vst.add.f32.msk $0xffff, v2  }
0x62: {  	[tilespmem:s7+$0x10800] =	vst.add.f32.msk $0xffff, v0  }
0x63: {  	v2 =	vld [tilespmem:s14+$0xFFFFFE90]  }
0x64: {  	v0 =	vld [tilespmem:s14+$0xB0];
	_ =	sdelay $0x3  }
0x65: {  	[tilespmem:s11+$0x10810] =	vst.add.f32.msk $0xffff, v2  }
0x66: {  	[tilespmem:s7+$0x10810] =	vst.add.f32.msk $0xffff, v0  }
0x67: {  	v2 =	vld [tilespmem:s14+$0xFFFFFEA0]  }
0x68: {  	v0 =	vld [tilespmem:s14+$0xC0];
	_ =	sdelay $0x2  }
0x69: {  	(v2sf) =	vpush v1, $0x7  }
0x6a: {  	s17 =	spop (v2sf);
	[tilespmem:s10+$0x10800] =	vst.add.f32.msk $0xffff, v2  }
0x6b: {  	[tilespmem:s17+$0x10800] =	vst.add.f32.msk $0xffff, v0  }
0x6c: {  	v2 =	vld [tilespmem:s14+$0xFFFFFEB0]  }
0x6d: {  	v0 =	vld [tilespmem:s14+$0xD0];
	_ =	sdelay $0x3  }
0x6e: {  	[tilespmem:s10+$0x10810] =	vst.add.f32.msk $0xffff, v2  }
0x6f: {  	[tilespmem:s17+$0x10810] =	vst.add.f32.msk $0xffff, v0  }
0x70: {  	v2 =	vld [tilespmem:s14+$0xFFFFFEC0]  }
0x71: {  	v0 =	vld [tilespmem:s14+$0xE0];
	_ =	sdelay $0x2  }
0x72: {  	(v2sf) =	vpush v1, $0x8  }
0x73: {  	s18 =	spop (v2sf);
	[tilespmem:s23+$0x10800] =	vst.add.f32.msk $0xffff, v2  }
0x74: {  	[tilespmem:s18+$0x10800] =	vst.add.f32.msk $0xffff, v0  }
0x75: {  	v2 =	vld [tilespmem:s14+$0xFFFFFED0]  }
0x76: {  	v0 =	vld [tilespmem:s14+$0xF0];
	_ =	sdelay $0x3  }
0x77: {  	[tilespmem:s23+$0x10810] =	vst.add.f32.msk $0xffff, v2  }
0x78: {  	[tilespmem:s18+$0x10810] =	vst.add.f32.msk $0xffff, v0  }
0x79: {  	v2 =	vld [tilespmem:s14+$0xFFFFFEE0]  }
0x7a: {  	v0 =	vld [tilespmem:s14+$0x100];
	_ =	sdelay $0x2  }
0x7b: {  	(v2sf) =	vpush v1, $0x9  }
0x7c: {  	s19 =	spop (v2sf);
	[tilespmem:s9+$0x10800] =	vst.add.f32.msk $0xffff, v2  }
0x7d: {  	[tilespmem:s19+$0x10800] =	vst.add.f32.msk $0xffff, v0  }
0x7e: {  	v2 =	vld [tilespmem:s14+$0xFFFFFEF0]  }
0x7f: {  	v0 =	vld [tilespmem:s14+$0x110];
	_ =	sdelay $0x3  }
0x80: {  	[tilespmem:s9+$0x10810] =	vst.add.f32.msk $0xffff, v2  }
0x81: {  	[tilespmem:s19+$0x10810] =	vst.add.f32.msk $0xffff, v0  }
0x82: {  	v3 =	vld [tilespmem:s14+$0xFFFFFF00]  }
0x83: {  	s20 =	simm.s32 $0x10030;
	v0 =	vld [tilespmem:s14+$0x120]  }
0x84: {  	v2 =	vld [tilespmem:s20+$0x0];
	_ =	sdelay $0x1  }
0x85: {  	v4 =	vld [tilespmem:s20+$0xFFFFFFF0];
	(v2sf) =	vpush v1, $0xA  }
0x86: {  	s21 =	spop (v2sf);
	[tilespmem:s24+$0x10800] =	vst.add.f32.msk $0xffff, v3  }
0x87: {  	[tilespmem:s21+$0x10800] =	vst.add.f32.msk $0xffff, v0  }
0x88: {  	v0 =	vshll.u32 v2, $0x7;
	v2 =	vld [tilespmem:s14+$0xFFFFFF10];
	_ =	sdelay $0x1  }
0x89: {  	v5 =	vld [tilespmem:s14+$0x130];
	_ =	sdelay $0x1  }
0x8a: {  	v0 =	vshra.s32 v0, $0x2  }
0x8b: {  	v3 =	vshll.u32 v4, $0x7;
	(v2sf) =	vpush v0, $0x0;
	[tilespmem:s24+$0x10810] =	vst.add.f32.msk $0xffff, v2  }
0x8c: {  	v3 =	vshra.s32 v3, $0x2;
	(v2sf) =	vpush v1, $0xB;
	v2 =	vld [tilespmem:s14+$0xFFFFFF20]  }
0x8d: {  	(v2sf) =	vpush v3, $0x0;
	[tilespmem:s21+$0x10810] =	vst.add.f32.msk $0xffff, v5  }
0x8e: {  	v61 =	vld [tilespmem:s14+$0x140]  }
0x8f: {  	(v2sf) =	vpush v3, $0x1  }
0x90: {  	(v2sf) =	vpush v3, $0x2  }
0x91: {  	(v2sf) =	vpush v3, $0x3;
	[tilespmem:s30+$0x10800] =	vst.add.f32.msk $0xffff, v2  }
0x92: {  	s22 =	spop (v2sf);
	(v2sf) =	vpush v3, $0x4;
	v2 =	vld [tilespmem:s14+$0xFFFFFF30]  }
0x93: {  	(v2sf) =	vpush v3, $0x5;
	[tilespmem:s22+$0x10800] =	vst.add.f32.msk $0xffff, v61  }
0x94: {  	(v2sf) =	vpush v3, $0x6;
	v4 =	vld [tilespmem:s14+$0x150]  }
0x95: {  	s17 =	simm.s32 $0x600;
	(v2sf) =	vpush v3, $0x7  }
0x96: {  	v62 =	vld [tilespmem:s17+$0x0];
	(v2sf) =	vpush v3, $0x8  }
0x97: {  	(v2sf) =	vpush v0, $0x1;
	[tilespmem:s30+$0x10810] =	vst.add.f32.msk $0xffff, v2  }
0x98: {  	v2 =	vld [tilespmem:s17+$0xFFFFFE00]  }
0x99: {  	[tilespmem:s22+$0x10810] =	vst.add.f32.msk $0xffff, v4  }
0x9a: {  	(v2sf) =	vpush v3, $0x9;
	s23 =	spop (v2sf);
	v4 =	vld [tilespmem:s14+$0x160]  }
0x9b: {  	(v2sf) =	vpush v1, $0xC;
	[tilespmem:s23+$0x10800] =	vst.add.f32.msk $0xffff, v62;
	s24 =	spop (v2sf)  }
0x9c: {  	v5 =	vld [tilespmem:s17+$0x10];
	s5 =	spop (v2sf)  }
0x9d: {  	(v2sf) =	vpush v3, $0xA;
	[tilespmem:s5+$0x10800] =	vst.add.f32.msk $0xffff, v2  }
0x9e: {  	(v2sf) =	vpush v3, $0xB;
	s30 =	spop (v2sf);
	v2 =	vld [tilespmem:s17+$0xFFFFFE10]  }
0x9f: {  	(v2sf) =	vpush v3, $0xC;
	s31 =	spop (v2sf);
	[tilespmem:s24+$0x10800] =	vst.add.f32.msk $0xffff, v4  }
0xa0: {  	(v2sf) =	vpush v3, $0xD;
	s4 =	spop (v2sf);
	v4 =	vld [tilespmem:s14+$0x170]  }
0xa1: {  	(v2sf) =	vpush v3, $0xE;
	s11 =	spop (v2sf);
	[tilespmem:s23+$0x10810] =	vst.add.f32.msk $0xffff, v5  }
0xa2: {  	(v2sf) =	vpush v3, $0xF;
	s10 =	spop (v2sf);
	v3 =	vld [tilespmem:s17+$0x20]  }
0xa3: {  	(v2sf) =	vpush v0, $0x2;
	s9 =	spop (v2sf);
	[tilespmem:s5+$0x10810] =	vst.add.f32.msk $0xffff, v2  }
0xa4: {  	s1 =	spop (v2sf);
	v2 =	vld [tilespmem:s17+$0xFFFFFE20]  }
0xa5: {  	s0 =	spop (v2sf);
	[tilespmem:s24+$0x10810] =	vst.add.f32.msk $0xffff, v4  }
0xa6: {  	s6 =	spop (v2sf);
	v4 =	vld [tilespmem:s14+$0x180]  }
0xa7: {  	(v2sf) =	vpush v1, $0xD;
	[tilespmem:s6+$0x10800] =	vst.add.f32.msk $0xffff, v3  }
0xa8: {  	v3 =	vld [tilespmem:s17+$0x30]  }
0xa9: {  	s23 =	spop (v2sf);
	[tilespmem:s30+$0x10800] =	vst.add.f32.msk $0xffff, v2  }
0xaa: {  	s7 =	spop (v2sf);
	v2 =	vld [tilespmem:s17+$0xFFFFFE30]  }
0xab: {  	[tilespmem:s7+$0x10800] =	vst.add.f32.msk $0xffff, v4  }
0xac: {  	s21 =	spop (v2sf);
	v4 =	vld [tilespmem:s14+$0x190]  }
0xad: {  	s20 =	spop (v2sf);
	[tilespmem:s6+$0x10810] =	vst.add.f32.msk $0xffff, v3  }
0xae: {  	s19 =	spop (v2sf);
	v3 =	vld [tilespmem:s17+$0x40]  }
0xaf: {  	(v2sf) =	vpush v0, $0x3;
	s18 =	spop (v2sf);
	[tilespmem:s30+$0x10810] =	vst.add.f32.msk $0xffff, v2  }
0xb0: {  	s24 =	spop (v2sf);
	v2 =	vld [tilespmem:s17+$0xFFFFFE40]  }
0xb1: {  	s22 =	spop (v2sf);
	[tilespmem:s7+$0x10810] =	vst.add.f32.msk $0xffff, v4  }
0xb2: {  	s6 =	spop (v2sf);
	v4 =	vld [tilespmem:s14+$0x1A0]  }
0xb3: {  	(v2sf) =	vpush v1, $0xE;
	[tilespmem:s6+$0x10800] =	vst.add.f32.msk $0xffff, v3  }
0xb4: {  	v3 =	vld [tilespmem:s17+$0x50]  }
0xb5: {  	[tilespmem:s31+$0x10800] =	vst.add.f32.msk $0xffff, v2  }
0xb6: {  	s7 =	spop (v2sf);
	v2 =	vld [tilespmem:s17+$0xFFFFFE50]  }
0xb7: {  	[tilespmem:s7+$0x10800] =	vst.add.f32.msk $0xffff, v4  }
0xb8: {  	v4 =	vld [tilespmem:s14+$0x1B0]  }
0xb9: {  	[tilespmem:s6+$0x10810] =	vst.add.f32.msk $0xffff, v3  }
0xba: {  	v3 =	vld [tilespmem:s17+$0x60]  }
0xbb: {  	(v2sf) =	vpush v0, $0x4;
	[tilespmem:s31+$0x10810] =	vst.add.f32.msk $0xffff, v2  }
0xbc: {  	v2 =	vld [tilespmem:s17+$0xFFFFFE60]  }
0xbd: {  	[tilespmem:s7+$0x10810] =	vst.add.f32.msk $0xffff, v4  }
0xbe: {  	s30 =	spop (v2sf);
	v4 =	vld [tilespmem:s14+$0x1C0]  }
0xbf: {  	(v2sf) =	vpush v1, $0xF;
	[tilespmem:s30+$0x10800] =	vst.add.f32.msk $0xffff, v3  }
0xc0: {  	v1 =	vld [tilespmem:s17+$0x70]  }
0xc1: {  	[tilespmem:s4+$0x10800] =	vst.add.f32.msk $0xffff, v2  }
0xc2: {  	s31 =	spop (v2sf);
	v2 =	vld [tilespmem:s17+$0xFFFFFE70]  }
0xc3: {  	[tilespmem:s31+$0x10800] =	vst.add.f32.msk $0xffff, v4  }
0xc4: {  	v3 =	vld [tilespmem:s14+$0x1D0]  }
0xc5: {  	[tilespmem:s30+$0x10810] =	vst.add.f32.msk $0xffff, v1  }
0xc6: {  	v1 =	vld [tilespmem:s17+$0x80]  }
0xc7: {  	[tilespmem:s4+$0x10810] =	vst.add.f32.msk $0xffff, v2  }
0xc8: {  	v2 =	vld [tilespmem:s17+$0xFFFFFE80]  }
0xc9: {  	[tilespmem:s31+$0x10810] =	vst.add.f32.msk $0xffff, v3  }
0xca: {  	s6 =	spop (v2sf);
	v3 =	vld [tilespmem:s14+$0x1E0]  }
0xcb: {  	(v2sf) =	vpush v0, $0x5;
	[tilespmem:s6+$0x10800] =	vst.add.f32.msk $0xffff, v1  }
0xcc: {  	v1 =	vld [tilespmem:s17+$0x90]  }
0xcd: {  	[tilespmem:s11+$0x10800] =	vst.add.f32.msk $0xffff, v2  }
0xce: {  	s7 =	spop (v2sf);
	v2 =	vld [tilespmem:s17+$0xFFFFFE90]  }
0xcf: {  	[tilespmem:s7+$0x10800] =	vst.add.f32.msk $0xffff, v3  }
0xd0: {  	v3 =	vld [tilespmem:s14+$0x1F0]  }
0xd1: {  	[tilespmem:s6+$0x10810] =	vst.add.f32.msk $0xffff, v1  }
0xd2: {  	v1 =	vld [tilespmem:s14+$0xFFFFFF40]  }
0xd3: {  	[tilespmem:s11+$0x10810] =	vst.add.f32.msk $0xffff, v2  }
0xd4: {  	v2 =	vld [tilespmem:s17+$0xFFFFFEA0]  }
0xd5: {  	[tilespmem:s7+$0x10810] =	vst.add.f32.msk $0xffff, v3  }
0xd6: {  	v3 =	vld [tilespmem:s17+$0xA0];
	_ =	sdelay $0x1  }
0xd7: {  	[tilespmem:s29+$0x10800] =	vst.add.f32.msk $0xffff, v1  }
0xd8: {  	(v2sf) =	vpush v0, $0x6;
	v1 =	vld [tilespmem:s14+$0xFFFFFF50]  }
0xd9: {  	s12 =	spop (v2sf);
	[tilespmem:s10+$0x10800] =	vst.add.f32.msk $0xffff, v2  }
0xda: {  	[tilespmem:s12+$0x10800] =	vst.add.f32.msk $0xffff, v3  }
0xdb: {  	v2 =	vld [tilespmem:s17+$0xFFFFFEB0]  }
0xdc: {  	v3 =	vld [tilespmem:s17+$0xB0];
	_ =	sdelay $0x1  }
0xdd: {  	[tilespmem:s29+$0x10810] =	vst.add.f32.msk $0xffff, v1  }
0xde: {  	v1 =	vld [tilespmem:s14+$0xFFFFFF60]  }
0xdf: {  	[tilespmem:s10+$0x10810] =	vst.add.f32.msk $0xffff, v2  }
0xe0: {  	[tilespmem:s12+$0x10810] =	vst.add.f32.msk $0xffff, v3  }
0xe1: {  	v2 =	vld [tilespmem:s17+$0xFFFFFEC0]  }
0xe2: {  	v3 =	vld [tilespmem:s17+$0xC0];
	_ =	sdelay $0x1  }
0xe3: {  	[tilespmem:s28+$0x10800] =	vst.add.f32.msk $0xffff, v1  }
0xe4: {  	(v2sf) =	vpush v0, $0x7;
	v1 =	vld [tilespmem:s14+$0xFFFFFF70]  }
0xe5: {  	s29 =	spop (v2sf);
	[tilespmem:s9+$0x10800] =	vst.add.f32.msk $0xffff, v2  }
0xe6: {  	[tilespmem:s29+$0x10800] =	vst.add.f32.msk $0xffff, v3  }
0xe7: {  	v2 =	vld [tilespmem:s17+$0xFFFFFED0]  }
0xe8: {  	v3 =	vld [tilespmem:s17+$0xD0];
	_ =	sdelay $0x1  }
0xe9: {  	[tilespmem:s28+$0x10810] =	vst.add.f32.msk $0xffff, v1  }
0xea: {  	v1 =	vld [tilespmem:s14+$0xFFFFFF80]  }
0xeb: {  	[tilespmem:s9+$0x10810] =	vst.add.f32.msk $0xffff, v2  }
0xec: {  	[tilespmem:s29+$0x10810] =	vst.add.f32.msk $0xffff, v3  }
0xed: {  	v2 =	vld [tilespmem:s17+$0xFFFFFEE0]  }
0xee: {  	v3 =	vld [tilespmem:s17+$0xE0];
	_ =	sdelay $0x1  }
0xef: {  	[tilespmem:s26+$0x10800] =	vst.add.f32.msk $0xffff, v1  }
0xf0: {  	(v2sf) =	vpush v0, $0x8;
	v1 =	vld [tilespmem:s14+$0xFFFFFF90]  }
0xf1: {  	s30 =	spop (v2sf);
	[tilespmem:s1+$0x10800] =	vst.add.f32.msk $0xffff, v2  }
0xf2: {  	[tilespmem:s30+$0x10800] =	vst.add.f32.msk $0xffff, v3  }
0xf3: {  	v2 =	vld [tilespmem:s17+$0xFFFFFEF0]  }
0xf4: {  	v3 =	vld [tilespmem:s17+$0xF0];
	_ =	sdelay $0x1  }
0xf5: {  	[tilespmem:s26+$0x10810] =	vst.add.f32.msk $0xffff, v1  }
0xf6: {  	v1 =	vld [tilespmem:s14+$0xFFFFFFA0]  }
0xf7: {  	[tilespmem:s1+$0x10810] =	vst.add.f32.msk $0xffff, v2  }
0xf8: {  	[tilespmem:s30+$0x10810] =	vst.add.f32.msk $0xffff, v3  }
0xf9: {  	v2 =	vld [tilespmem:s17+$0xFFFFFF00]  }
0xfa: {  	v3 =	vld [tilespmem:s17+$0x100]  }
0xfb: {  	(v2sf) =	vpush v0, $0x9;
	[tilespmem:s25+$0x10800] =	vst.add.f32.msk $0xffff, v1  }
0xfc: {  	v1 =	vld [tilespmem:s14+$0xFFFFFFB0];
	_ =	sdelay $0x1  }
0xfd: {  	s31 =	spop (v2sf);
	[tilespmem:s0+$0x10800] =	vst.add.f32.msk $0xffff, v2  }
0xfe: {  	[tilespmem:s31+$0x10800] =	vst.add.f32.msk $0xffff, v3  }
0xff: {  	v3 =	vld [tilespmem:s17+$0x110]  }
0x100: {  	[tilespmem:s25+$0x10810] =	vst.add.f32.msk $0xffff, v1  }
0x101: {  	v63 =	vld [tilespmem:s17+$0xFFFFFF10]  }
0x102: {  	v1 =	vld [tilespmem:s14+$0xFFFFFFC0];
	_ =	sdelay $0x1  }
0x103: {  	[tilespmem:s31+$0x10810] =	vst.add.f32.msk $0xffff, v3  }
0x104: {  	v2 =	vld [tilespmem:s17+$0x120]  }
0x105: {  	(v2sf) =	vpush v0, $0xA;
	[tilespmem:s0+$0x10810] =	vst.add.f32.msk $0xffff, v63  }
0x106: {  	[tilespmem:s16+$0x10800] =	vst.add.f32.msk $0xffff, v1  }
0x107: {  	s26 =	simm.s32 $0x10050;
	s25 =	simm.s32 $0x2;
	v1 =	vld [tilespmem:s14+$0xFFFFFFD0]  }
.LBB2_2:
0x108: {  	v3 =	vld [tilespmem:s26+$0x0];
	s25 =	sadd.s32 $0x2, s25;
	s0 =	spop (v2sf)  }
0x109: {  	p0 =	slt.u32 s25, $0x7E;
	[tilespmem:s0+$0x10800] =	vst.add.f32.msk $0xffff, v2  }
0x10a: {  	v2 =	vld [tilespmem:s17+$0x130]  }
0x10b: {  	v4 =	vld [tilespmem:s26+$0xFFFFFFF0]  }
0x10c: {  	v5 =	vld [tilespmem:s17+$0xFFFFFF20]  }
0x10d: {  	v3 =	vshll.u32 v3, $0x7;
	[tilespmem:s16+$0x10810] =	vst.add.f32.msk $0xffff, v1;
	s16 =	smov.u32 s24  }
0x10e: {  	v1 =	vshra.s32 v3, $0x2;
	v3 =	vld [tilespmem:s14+$0xFFFFFFE0]  }
0x10f: {  	(v2sf) =	vpush v1, $0x0;
	[tilespmem:s0+$0x10810] =	vst.add.f32.msk $0xffff, v2  }
0x110: {  	v2 =	vshll.u32 v4, $0x7;
	v4 =	vld [tilespmem:s17+$0x140]  }
0x111: {  	v2 =	vshra.s32 v2, $0x2;
	[tilespmem:s23+$0x10800] =	vst.add.f32.msk $0xffff, v5;
	(v2sf) =	vpush v0, $0xB  }
0x112: {  	(v2sf) =	vpush v2, $0x0;
	v5 =	vld [tilespmem:s17+$0xFFFFFF30]  }
0x113: {  	(v2sf) =	vpush v2, $0x1;
	[tilespmem:s15+$0x10800] =	vst.add.f32.msk $0xffff, v3  }
0x114: {  	(v2sf) =	vpush v2, $0x2;
	s0 =	spop (v2sf);
	v3 =	vld [tilespmem:s14+$0xFFFFFFF0];
	s14 =	smov.u32 s17  }
0x115: {  	(v2sf) =	vpush v2, $0x3;
	[tilespmem:s0+$0x10800] =	vst.add.f32.msk $0xffff, v4  }
0x116: {  	(v2sf) =	vpush v2, $0x4;
	v4 =	vld [tilespmem:s17+$0x150]  }
0x117: {  	(v2sf) =	vpush v2, $0x5;
	[tilespmem:s23+$0x10810] =	vst.add.f32.msk $0xffff, v5  }
0x118: {  	(v2sf) =	vpush v2, $0x6;
	v5 =	vld [tilespmem:s17+$0xFFFFFF40]  }
0x119: {  	s17 =	sadd.s32 $0x400, s17;
	(v2sf) =	vpush v2, $0x7;
	[tilespmem:s15+$0x10810] =	vst.add.f32.msk $0xffff, v3;
	s15 =	smov.u32 s22  }
0x11a: {  	v3 =	vld [tilespmem:s17+$0x0];
	(v2sf) =	vpush v2, $0x8  }
0x11b: {  	(v2sf) =	vpush v1, $0x1;
	[tilespmem:s0+$0x10810] =	vst.add.f32.msk $0xffff, v4  }
0x11c: {  	(v2sf) =	vpush v2, $0x9;
	v4 =	vld [tilespmem:s14+$0x160]  }
0x11d: {  	v6 =	vld [tilespmem:s17+$0xFFFFFE00];
	(v2sf) =	vpush v0, $0xC  }
0x11e: {  	(v2sf) =	vpush v2, $0xA;
	s0 =	spop (v2sf);
	[tilespmem:s21+$0x10800] =	vst.add.f32.msk $0xffff, v5  }
0x11f: {  	[tilespmem:s0+$0x10800] =	vst.add.f32.msk $0xffff, v3;
	(v2sf) =	vpush v2, $0xB  }
0x120: {  	v3 =	vld [tilespmem:s17+$0x10];
	(v2sf) =	vpush v2, $0xC;
	s1 =	spop (v2sf)  }
0x121: {  	s5 =	spop (v2sf);
	(v2sf) =	vpush v2, $0xD;
	[tilespmem:s1+$0x10800] =	vst.add.f32.msk $0xffff, v4  }
0x122: {  	s6 =	spop (v2sf);
	(v2sf) =	vpush v2, $0xE;
	v4 =	vld [tilespmem:s14+$0x170]  }
0x123: {  	[tilespmem:s5+$0x10800] =	vst.add.f32.msk $0xffff, v6;
	s4 =	spop (v2sf);
	(v2sf) =	vpush v2, $0xF  }
0x124: {  	v2 =	vld [tilespmem:s17+$0xFFFFFE10];
	s12 =	spop (v2sf)  }
0x125: {  	[tilespmem:s0+$0x10810] =	vst.add.f32.msk $0xffff, v3;
	s10 =	spop (v2sf)  }
0x126: {  	v3 =	vld [tilespmem:s17+$0x20];
	s0 =	spop (v2sf)  }
0x127: {  	s31 =	spop (v2sf);
	(v2sf) =	vpush v1, $0x2;
	[tilespmem:s1+$0x10810] =	vst.add.f32.msk $0xffff, v4  }
0x128: {  	s29 =	spop (v2sf);
	v4 =	vld [tilespmem:s14+$0x180]  }
0x129: {  	[tilespmem:s5+$0x10810] =	vst.add.f32.msk $0xffff, v2;
	s28 =	spop (v2sf);
	(v2sf) =	vpush v0, $0xD  }
0x12a: {  	v2 =	vld [tilespmem:s17+$0xFFFFFE20];
	s5 =	spop (v2sf)  }
0x12b: {  	[tilespmem:s5+$0x10800] =	vst.add.f32.msk $0xffff, v3;
	s23 =	spop (v2sf)  }
0x12c: {  	v3 =	vld [tilespmem:s17+$0x30];
	s7 =	spop (v2sf)  }
0x12d: {  	s11 =	spop (v2sf);
	[tilespmem:s7+$0x10800] =	vst.add.f32.msk $0xffff, v4  }
0x12e: {  	s9 =	spop (v2sf);
	v4 =	vld [tilespmem:s14+$0x190]  }
0x12f: {  	[tilespmem:s6+$0x10800] =	vst.add.f32.msk $0xffff, v2;
	s1 =	spop (v2sf)  }
0x130: {  	v2 =	vld [tilespmem:s17+$0xFFFFFE30];
	s30 =	spop (v2sf)  }
0x131: {  	[tilespmem:s5+$0x10810] =	vst.add.f32.msk $0xffff, v3;
	s24 =	spop (v2sf)  }
0x132: {  	v3 =	vld [tilespmem:s17+$0x40];
	s22 =	spop (v2sf)  }
0x133: {  	(v2sf) =	vpush v1, $0x3;
	[tilespmem:s7+$0x10810] =	vst.add.f32.msk $0xffff, v4  }
0x134: {  	v4 =	vld [tilespmem:s14+$0x1A0]  }
0x135: {  	[tilespmem:s6+$0x10810] =	vst.add.f32.msk $0xffff, v2;
	(v2sf) =	vpush v0, $0xE  }
0x136: {  	v2 =	vld [tilespmem:s17+$0xFFFFFE40];
	s5 =	spop (v2sf)  }
0x137: {  	[tilespmem:s5+$0x10800] =	vst.add.f32.msk $0xffff, v3  }
0x138: {  	v3 =	vld [tilespmem:s17+$0x50];
	s6 =	spop (v2sf)  }
0x139: {  	[tilespmem:s6+$0x10800] =	vst.add.f32.msk $0xffff, v4  }
0x13a: {  	v4 =	vld [tilespmem:s14+$0x1B0]  }
0x13b: {  	[tilespmem:s4+$0x10800] =	vst.add.f32.msk $0xffff, v2  }
0x13c: {  	v2 =	vld [tilespmem:s17+$0xFFFFFE50]  }
0x13d: {  	[tilespmem:s5+$0x10810] =	vst.add.f32.msk $0xffff, v3  }
0x13e: {  	v3 =	vld [tilespmem:s17+$0x60]  }
0x13f: {  	(v2sf) =	vpush v1, $0x4;
	[tilespmem:s6+$0x10810] =	vst.add.f32.msk $0xffff, v4  }
0x140: {  	v4 =	vld [tilespmem:s14+$0x1C0]  }
0x141: {  	[tilespmem:s4+$0x10810] =	vst.add.f32.msk $0xffff, v2;
	(v2sf) =	vpush v0, $0xF;
	v0 =	vmov v1  }
0x142: {  	v1 =	vld [tilespmem:s17+$0xFFFFFE60];
	s4 =	spop (v2sf)  }
0x143: {  	[tilespmem:s4+$0x10800] =	vst.add.f32.msk $0xffff, v3  }
0x144: {  	v2 =	vld [tilespmem:s17+$0x70];
	s5 =	spop (v2sf)  }
0x145: {  	[tilespmem:s5+$0x10800] =	vst.add.f32.msk $0xffff, v4  }
0x146: {  	v3 =	vld [tilespmem:s14+$0x1D0]  }
0x147: {  	[tilespmem:s12+$0x10800] =	vst.add.f32.msk $0xffff, v1  }
0x148: {  	v1 =	vld [tilespmem:s17+$0xFFFFFE70]  }
0x149: {  	[tilespmem:s4+$0x10810] =	vst.add.f32.msk $0xffff, v2  }
0x14a: {  	v2 =	vld [tilespmem:s17+$0x80]  }
0x14b: {  	(v2sf) =	vpush v0, $0x5;
	[tilespmem:s5+$0x10810] =	vst.add.f32.msk $0xffff, v3  }
0x14c: {  	v3 =	vld [tilespmem:s14+$0x1E0]  }
0x14d: {  	[tilespmem:s12+$0x10810] =	vst.add.f32.msk $0xffff, v1  }
0x14e: {  	v1 =	vld [tilespmem:s17+$0xFFFFFE80];
	s4 =	spop (v2sf)  }
0x14f: {  	[tilespmem:s4+$0x10800] =	vst.add.f32.msk $0xffff, v2  }
0x150: {  	v2 =	vld [tilespmem:s17+$0x90];
	s5 =	spop (v2sf)  }
0x151: {  	[tilespmem:s5+$0x10800] =	vst.add.f32.msk $0xffff, v3  }
0x152: {  	v3 =	vld [tilespmem:s14+$0x1F0]  }
0x153: {  	[tilespmem:s10+$0x10800] =	vst.add.f32.msk $0xffff, v1  }
0x154: {  	v1 =	vld [tilespmem:s17+$0xFFFFFE90]  }
0x155: {  	[tilespmem:s4+$0x10810] =	vst.add.f32.msk $0xffff, v2  }
0x156: {  	v2 =	vld [tilespmem:s17+$0xA0]  }
0x157: {  	(v2sf) =	vpush v0, $0x6;
	[tilespmem:s5+$0x10810] =	vst.add.f32.msk $0xffff, v3  }
0x158: {  	v3 =	vld [tilespmem:s14+$0xFFFFFF50]  }
0x159: {  	[tilespmem:s10+$0x10810] =	vst.add.f32.msk $0xffff, v1  }
0x15a: {  	v1 =	vld [tilespmem:s17+$0xFFFFFEA0];
	s4 =	spop (v2sf)  }
0x15b: {  	[tilespmem:s4+$0x10800] =	vst.add.f32.msk $0xffff, v2  }
0x15c: {  	v2 =	vld [tilespmem:s17+$0xB0]  }
0x15d: {  	[tilespmem:s21+$0x10810] =	vst.add.f32.msk $0xffff, v3;
	s21 =	smov.u32 s11  }
0x15e: {  	v3 =	vld [tilespmem:s14+$0xFFFFFF60]  }
0x15f: {  	[tilespmem:s0+$0x10800] =	vst.add.f32.msk $0xffff, v1  }
0x160: {  	v1 =	vld [tilespmem:s17+$0xFFFFFEB0]  }
0x161: {  	[tilespmem:s4+$0x10810] =	vst.add.f32.msk $0xffff, v2  }
0x162: {  	v2 =	vld [tilespmem:s17+$0xC0]  }
0x163: {  	(v2sf) =	vpush v0, $0x7;
	[tilespmem:s20+$0x10800] =	vst.add.f32.msk $0xffff, v3  }
0x164: {  	v3 =	vld [tilespmem:s14+$0xFFFFFF70]  }
0x165: {  	[tilespmem:s0+$0x10810] =	vst.add.f32.msk $0xffff, v1  }
0x166: {  	v1 =	vld [tilespmem:s17+$0xFFFFFEC0];
	s0 =	spop (v2sf)  }
0x167: {  	[tilespmem:s0+$0x10800] =	vst.add.f32.msk $0xffff, v2  }
0x168: {  	v2 =	vld [tilespmem:s17+$0xD0]  }
0x169: {  	[tilespmem:s20+$0x10810] =	vst.add.f32.msk $0xffff, v3;
	s20 =	smov.u32 s9  }
0x16a: {  	v3 =	vld [tilespmem:s14+$0xFFFFFF80]  }
0x16b: {  	[tilespmem:s31+$0x10800] =	vst.add.f32.msk $0xffff, v1  }
0x16c: {  	v1 =	vld [tilespmem:s17+$0xFFFFFED0]  }
0x16d: {  	[tilespmem:s0+$0x10810] =	vst.add.f32.msk $0xffff, v2  }
0x16e: {  	v2 =	vld [tilespmem:s17+$0xE0]  }
0x16f: {  	(v2sf) =	vpush v0, $0x8;
	[tilespmem:s19+$0x10800] =	vst.add.f32.msk $0xffff, v3  }
0x170: {  	v3 =	vld [tilespmem:s14+$0xFFFFFF90]  }
0x171: {  	[tilespmem:s31+$0x10810] =	vst.add.f32.msk $0xffff, v1  }
0x172: {  	v1 =	vld [tilespmem:s17+$0xFFFFFEE0];
	s0 =	spop (v2sf)  }
0x173: {  	[tilespmem:s0+$0x10800] =	vst.add.f32.msk $0xffff, v2  }
0x174: {  	v2 =	vld [tilespmem:s17+$0xF0]  }
0x175: {  	[tilespmem:s19+$0x10810] =	vst.add.f32.msk $0xffff, v3;
	s19 =	smov.u32 s1  }
0x176: {  	v3 =	vld [tilespmem:s14+$0xFFFFFFA0]  }
0x177: {  	[tilespmem:s29+$0x10800] =	vst.add.f32.msk $0xffff, v1  }
0x178: {  	v1 =	vld [tilespmem:s17+$0xFFFFFEF0]  }
0x179: {  	[tilespmem:s0+$0x10810] =	vst.add.f32.msk $0xffff, v2  }
0x17a: {  	v2 =	vld [tilespmem:s17+$0x100]  }
0x17b: {  	(v2sf) =	vpush v0, $0x9;
	[tilespmem:s18+$0x10800] =	vst.add.f32.msk $0xffff, v3  }
0x17c: {  	v3 =	vld [tilespmem:s14+$0xFFFFFFB0]  }
0x17d: {  	[tilespmem:s29+$0x10810] =	vst.add.f32.msk $0xffff, v1  }
0x17e: {  	v1 =	vld [tilespmem:s17+$0xFFFFFF00];
	s0 =	spop (v2sf)  }
0x17f: {  	[tilespmem:s0+$0x10800] =	vst.add.f32.msk $0xffff, v2  }
0x180: {  	v2 =	vld [tilespmem:s17+$0x110]  }
0x181: {  	[tilespmem:s18+$0x10810] =	vst.add.f32.msk $0xffff, v3;
	s18 =	smov.u32 s30  }
0x182: {  	v3 =	vld [tilespmem:s14+$0xFFFFFFC0]  }
0x183: {  	[tilespmem:s28+$0x10800] =	vst.add.f32.msk $0xffff, v1  }
0x184: {  	v4 =	vld [tilespmem:s17+$0xFFFFFF10]  }
.Ltmp0:
0x185: {  	[tilespmem:s0+$0x10810] =	vst.add.f32.msk $0xffff, v2;
	(pc) =	sbr.rel @p0 .LBB2_2-.Ltmp0, $4  }
0x186: {  	v2 =	vld [tilespmem:s17+$0x120]  }
0x187: {  	(v2sf) =	vpush v0, $0xA;
	[tilespmem:s16+$0x10800] =	vst.add.f32.msk $0xffff, v3  }
0x188: {  	v1 =	vld [tilespmem:s14+$0xFFFFFFD0]  }
0x189: {  	s26 =	sadd.s32 $0x20, s26;
	[tilespmem:s28+$0x10810] =	vst.add.f32.msk $0xffff, v4  }
0x18a: {  	v3 =	vld [tilespmem:s17+$0xFFFFFF20];
	_ =	sdelay $0x1  }
0x18b: {  	s0 =	spop (v2sf)  }
0x18c: {  	[tilespmem:s0+$0x10800] =	vst.add.f32.msk $0xffff, v2  }
0x18d: {  	v2 =	vld [tilespmem:s17+$0x130]  }
0x18e: {  	[tilespmem:s23+$0x10800] =	vst.add.f32.msk $0xffff, v3  }
0x18f: {  	v3 =	vld [tilespmem:s17+$0xFFFFFF30];
	_ =	sdelay $0x2  }
0x190: {  	[tilespmem:s0+$0x10810] =	vst.add.f32.msk $0xffff, v2  }
0x191: {  	v2 =	vld [tilespmem:s17+$0x140]  }
0x192: {  	(v2sf) =	vpush v0, $0xB;
	[tilespmem:s23+$0x10810] =	vst.add.f32.msk $0xffff, v3  }
0x193: {  	v3 =	vld [tilespmem:s17+$0xFFFFFF40];
	_ =	sdelay $0x1  }
0x194: {  	s25 =	spop (v2sf)  }
0x195: {  	[tilespmem:s25+$0x10800] =	vst.add.f32.msk $0xffff, v2  }
0x196: {  	v2 =	vld [tilespmem:s17+$0x150]  }
0x197: {  	[tilespmem:s21+$0x10800] =	vst.add.f32.msk $0xffff, v3  }
0x198: {  	v3 =	vld [tilespmem:s17+$0xFFFFFF50];
	_ =	sdelay $0x2  }
0x199: {  	[tilespmem:s25+$0x10810] =	vst.add.f32.msk $0xffff, v2  }
0x19a: {  	v2 =	vld [tilespmem:s17+$0x160]  }
0x19b: {  	(v2sf) =	vpush v0, $0xC;
	[tilespmem:s21+$0x10810] =	vst.add.f32.msk $0xffff, v3  }
0x19c: {  	v3 =	vld [tilespmem:s17+$0xFFFFFF60];
	_ =	sdelay $0x1  }
0x19d: {  	s26 =	spop (v2sf)  }
0x19e: {  	[tilespmem:s26+$0x10800] =	vst.add.f32.msk $0xffff, v2  }
0x19f: {  	v2 =	vld [tilespmem:s17+$0x170]  }
0x1a0: {  	[tilespmem:s20+$0x10800] =	vst.add.f32.msk $0xffff, v3  }
0x1a1: {  	v3 =	vld [tilespmem:s17+$0xFFFFFF70];
	_ =	sdelay $0x2  }
0x1a2: {  	[tilespmem:s26+$0x10810] =	vst.add.f32.msk $0xffff, v2  }
0x1a3: {  	v2 =	vld [tilespmem:s17+$0x180]  }
0x1a4: {  	(v2sf) =	vpush v0, $0xD;
	[tilespmem:s20+$0x10810] =	vst.add.f32.msk $0xffff, v3  }
0x1a5: {  	v3 =	vld [tilespmem:s17+$0xFFFFFF80];
	_ =	sdelay $0x1  }
0x1a6: {  	s28 =	spop (v2sf)  }
0x1a7: {  	[tilespmem:s28+$0x10800] =	vst.add.f32.msk $0xffff, v2  }
0x1a8: {  	v2 =	vld [tilespmem:s17+$0x190]  }
0x1a9: {  	[tilespmem:s19+$0x10800] =	vst.add.f32.msk $0xffff, v3  }
0x1aa: {  	v3 =	vld [tilespmem:s17+$0xFFFFFF90];
	_ =	sdelay $0x2  }
0x1ab: {  	[tilespmem:s28+$0x10810] =	vst.add.f32.msk $0xffff, v2  }
0x1ac: {  	v2 =	vld [tilespmem:s17+$0x1A0]  }
0x1ad: {  	(v2sf) =	vpush v0, $0xE;
	[tilespmem:s19+$0x10810] =	vst.add.f32.msk $0xffff, v3  }
0x1ae: {  	v3 =	vld [tilespmem:s17+$0xFFFFFFA0];
	_ =	sdelay $0x1  }
0x1af: {  	s29 =	spop (v2sf)  }
0x1b0: {  	[tilespmem:s29+$0x10800] =	vst.add.f32.msk $0xffff, v2  }
0x1b1: {  	v2 =	vld [tilespmem:s17+$0x1B0]  }
0x1b2: {  	[tilespmem:s18+$0x10800] =	vst.add.f32.msk $0xffff, v3  }
0x1b3: {  	v3 =	vld [tilespmem:s17+$0xFFFFFFB0];
	_ =	sdelay $0x2  }
0x1b4: {  	[tilespmem:s29+$0x10810] =	vst.add.f32.msk $0xffff, v2  }
0x1b5: {  	v2 =	vld [tilespmem:s17+$0x1C0]  }
0x1b6: {  	(v2sf) =	vpush v0, $0xF;
	[tilespmem:s18+$0x10810] =	vst.add.f32.msk $0xffff, v3  }
0x1b7: {  	v63 =	vld [tilespmem:s17+$0xFFFFFFC0];
	_ =	sdelay $0x1  }
0x1b8: {  	s30 =	spop (v2sf)  }
0x1b9: {  	[tilespmem:s30+$0x10800] =	vst.add.f32.msk $0xffff, v2  }
0x1ba: {  	v2 =	vld [tilespmem:s17+$0x1D0]  }
0x1bb: {  	[tilespmem:s24+$0x10800] =	vst.add.f32.msk $0xffff, v63  }
0x1bc: {  	v0 =	vld [tilespmem:s17+$0xFFFFFFD0]  }
0x1bd: {  	[tilespmem:s16+$0x10810] =	vst.add.f32.msk $0xffff, v1  }
0x1be: {  	v1 =	vld [tilespmem:s14+$0xFFFFFFE0]  }
0x1bf: {  	[tilespmem:s30+$0x10810] =	vst.add.f32.msk $0xffff, v2  }
0x1c0: {  	v2 =	vld [tilespmem:s17+$0x1E0]  }
0x1c1: {  	[tilespmem:s24+$0x10810] =	vst.add.f32.msk $0xffff, v0  }
0x1c2: {  	v0 =	vld [tilespmem:s17+$0xFFFFFFE0]  }
0x1c3: {  	[tilespmem:s15+$0x10800] =	vst.add.f32.msk $0xffff, v1  }
0x1c4: {  	v1 =	vld [tilespmem:s14+$0xFFFFFFF0];
	s31 =	spop (v2sf)  }
0x1c5: {  	[tilespmem:s31+$0x10800] =	vst.add.f32.msk $0xffff, v2  }
0x1c6: {  	v2 =	vld [tilespmem:s17+$0x1F0]  }
0x1c7: {  	[tilespmem:s22+$0x10800] =	vst.add.f32.msk $0xffff, v0  }
0x1c8: {  	v0 =	vld [tilespmem:s17+$0xFFFFFFF0];
	_ =	sdelay $0x2  }
0x1c9: {  	[tilespmem:s15+$0x10810] =	vst.add.f32.msk $0xffff, v1  }
0x1ca: {  	s13 =	sadd.s32 $0x1, s13;
	[tilespmem:s31+$0x10810] =	vst.add.f32.msk $0xffff, v2  }
0x1cb: {  	p0 =	sne.s32 s13, s8;
	[tilespmem:s22+$0x10810] =	vst.add.f32.msk $0xffff, v0  }
.Ltmp1:
0x1cc: {  	s5 =	simm.s32 $0x10800;
	s0 =	rddreg [dreg:$0x5];
	(pc) =	sbr.rel @p0 .LBB2_1-.Ltmp1, $4  }
0x1cd: {  	[hbm4b:s0+s2] =	stream.linear.scatter [tilespmem:s5], [sflag:$0x1], $0x8000, $0x38;
	[tilespmem:$0x18800] =	vst v63  }
0x1ce: {  	_ =	swait.ge [sflag:s3], $0x8000  }
0x1cf: {  	[sflag:s3] =	ssyncset.done $0x0  }
0x1d0: {  	[sflag:s3] =	ssyncadd.s32 $0xFFFF8000  }
0x1d1: {  	_ =	sfence.sel $0x180000  }
0x1d2: {  	[bflag:$0x0] =	sbarrier.arrive $0xFFFF  }
0x1d3: {  	_ =	strace $0x90000047  }
0x1d4: {  	s0 =	stileid.u32;
	[bflag:$0x2] =	sbarrier.arrive $0xFFFF  }
0x1d5: {  	p0 =	sne.s32 s0, $0x0;
	s0 =	rddreg [dreg:$0x1]  }
0x1d6: {  	s0 =	sadd.s32 @!p0 $0x100000, s0  }
0x1d7: {  	[sflag:s0] =	ssyncadd.tile.s32 @!p0 $0x1;
	_ =	shalt  }
.Lfunc_end2:
_tile_overlayer_lowered:
.L_overlay_start_2:
0x1d8: {  	(tag) =	ssettag $0x2  }
0x1d9: {  	s0 =	rddreg [dreg:$0x0];
	s2 =	stileid.u32  }
0x1da: {  	s1 =	rddreg [dreg:$0x1];
	p0 =	sne.s32 s2, $0x0  }
0x1db: {  	s3 =	rddreg [dreg:$0x2];
	[bflag:$0x3] =	sbarrier.arrive $0xFFFF;
	s2 =	simm.s32 @!p0 $0x1C01  }
0x1dc: {  	[timem:s3], [sflag:s2] =	dma.local @!p0 [hbm:s0], s1  }
0x1dd: {  	s0 =	simm.s32 @!p0 $0x1  }
0x1de: {  	_ =	swait.ge @!p0 [sflag:s0], s1  }
0x1df: {  	s1 =	ssub.s32 @!p0 $0x0, s1;
	[sflag:s0] =	ssyncset.done @!p0 $0x0  }
0x1e0: {  	[sflag:s0] =	ssyncadd.s32 @!p0 s1  }
0x1e1: {  	[bflag:$0x3] =	sbarrier.arrive $0xFFFF  }
0x1e2: {  	_ =	shalt  }

</sc_bundles>
